<compile_context>
chip_gen: v7x
topology: tpu7x:2x2x1
jax: 0.10.2.dev20260603
libtpu: 0.0.44.dev20260713+nightly
codegen_flags: <defaults>
</compile_context>

<pallas_src>
import functools

import jax
import jax.numpy as jnp
from jax import lax
from jax.experimental import pallas as pl
from jax.experimental.pallas import tpu as pltpu
from jax.experimental.pallas import tpu_sc as plsc

E = 64
TOP_K = 8
N_GROUP = 8
TOPK_GROUP = 3
GROUP_SIZE = E // N_GROUP
SCALE = 16.0

BT = 512
NW = 32
L = 16



def _scores_kernel(x_ref, w_ref, s_ref):
    x = x_ref[...]
    w = w_ref[...]
    logits = jax.lax.dot_general(
        x, w, (((1,), (1,)), ((), ())),
        preferred_element_type=jnp.float32,
    )
    m = jnp.max(logits, axis=1, keepdims=True)
    ex = jnp.exp(logits - m)
    s_ref[...] = ex / jnp.sum(ex, axis=1, keepdims=True)


def _tc_scores(x, w, n_tokens, hidden_dim):
    return pl.pallas_call(
        _scores_kernel,
        grid=(n_tokens // BT,),
        in_specs=[
            pl.BlockSpec((BT, hidden_dim), lambda i: (i, 0)),
            pl.BlockSpec((E, hidden_dim), lambda i: (0, 0)),
        ],
        out_specs=pl.BlockSpec((BT, E), lambda i: (i, 0)),
        out_shape=jax.ShapeDtypeStruct((n_tokens, E), jnp.float32),
    )(x, w)



def _sc_route_body(scores_hbm, idx_hbm, wgt_hbm, sv, iv, wv):
    t_per_w = sv.shape[0] // E
    iota = lax.iota(jnp.int32, L)

    gd = lax.GatherDimensionNumbers(
        offset_dims=(), collapsed_slice_dims=(0,), start_index_map=(0,))

    def take(a, idx):
        return lax.gather(a, idx[:, None], gd, slice_sizes=(1,),
                          mode=lax.GatherScatterMode.PROMISE_IN_BOUNDS)

    wid = lax.axis_index("s") * 2 + lax.axis_index("c")
    pltpu.sync_copy(scores_hbm.at[pl.ds(wid * sv.shape[0], sv.shape[0])], sv)

    perms = [iota ^ 1, iota ^ 2, iota ^ 4]
    zeros = jnp.zeros((L,), jnp.int32)
    ones = zeros + 1
    twos = zeros + 2
    eights = zeros + 8
    shift8 = (iota - 8) & 15
    lane_lt8 = iota < 8
    idvecs = [iota + 16 * r for r in range(4)]
    grpvecs = [(iota + 16 * r) >> 3 for r in range(4)]

    def route_one(tok):
        v = [sv[pl.ds(tok * E + r * L, L)] for r in range(4)]
        m = v
        for p in perms:
            m = [jnp.maximum(mr, take(mr, p)) for mr in m]
        g = jnp.full((L,), -1.0, jnp.float32)
        for r in range(4):
            g = jnp.where(iota == 2 * r, take(m[r], zeros), g)
            g = jnp.where(iota == 2 * r + 1, take(m[r], eights), g)
        gk, gv_ids = plsc.sort_key_val(g, iota, descending=True)
        b0 = take(gv_ids, zeros)
        b1 = take(gv_ids, ones)
        b2 = take(gv_ids, twos)
        ks, xs = [], []
        for r in range(4):
            sel = (grpvecs[r] == b0) | (grpvecs[r] == b1) | (grpvecs[r] == b2)
            wr = jnp.where(sel, v[r], -1.0)
            kr, xr = plsc.sort_key_val(wr, idvecs[r], descending=True)
            ks.append(kr)
            xs.append(xr)

        def merge(ka, va, kb, vb):
            ck = jnp.where(lane_lt8, ka, lax.rev(kb, (0,)))
            cv = jnp.where(lane_lt8, va, lax.rev(vb, (0,)))
            return plsc.sort_key_val(ck, cv, descending=True)

        k01, v01 = merge(ks[0], xs[0], ks[1], xs[1])
        k23, v23 = merge(ks[2], xs[2], ks[3], xs[3])
        kf, vf = merge(k01, v01, k23, v23)
        return kf, vf

    def body(t, _):
        ka, va = route_one(2 * t)
        kb, vb = route_one(2 * t + 1)
        iv[pl.ds(t * L, L)] = jnp.where(lane_lt8, va, take(vb, shift8))
        wv[pl.ds(t * L, L)] = jnp.where(lane_lt8, ka, take(kb, shift8)) * SCALE
        return 0

    lax.fori_loop(0, t_per_w // 2, body, 0)

    pltpu.sync_copy(iv, idx_hbm.at[pl.ds(wid * iv.shape[0], iv.shape[0])])
    pltpu.sync_copy(wv, wgt_hbm.at[pl.ds(wid * wv.shape[0], wv.shape[0])])


def _sc_route(scores, n_tokens):
    t_per_w = n_tokens // NW
    mesh = plsc.VectorSubcoreMesh(core_axis_name="c", subcore_axis_name="s")
    run = pl.kernel(
        _sc_route_body,
        out_type=[
            jax.ShapeDtypeStruct((n_tokens * TOP_K,), jnp.int32),
            jax.ShapeDtypeStruct((n_tokens * TOP_K,), jnp.float32),
        ],
        mesh=mesh,
        compiler_params=pltpu.CompilerParams(needs_layout_passes=False),
        scratch_types=[
            pltpu.VMEM((t_per_w * E,), jnp.float32),
            pltpu.VMEM((t_per_w * TOP_K,), jnp.int32),
            pltpu.VMEM((t_per_w * TOP_K,), jnp.float32),
        ],
    )
    idx1, wgt1 = run(scores.reshape(n_tokens * E))
    return (idx1.reshape(n_tokens, TOP_K), wgt1.reshape(n_tokens, TOP_K))


def kernel(hidden_states, weight):
    bsz, seq_len, hidden_dim = hidden_states.shape
    n_tokens = bsz * seq_len
    x = hidden_states.reshape(n_tokens, hidden_dim).astype(jnp.float32)
    w = weight.astype(jnp.float32)
    scores = _tc_scores(x, w, n_tokens, hidden_dim)
    return _sc_route(scores, n_tokens)

# --- scband reference (transcript-rebuilt; emitter-appended) ---
"""Pipeline reference for scband-deep-seek-v2-mo-egate-56650618635054 (READ-ONLY COPY).

The authoritative reference and input builder live on the scoring server;
editing this copy changes nothing except your own understanding.
"""

import jax, jax.numpy as jnp
import numpy as np

B, S, D = 4, 4096, 4096
E = 64
TOP_K = 8
N_GROUP = 8
TOPK_GROUP = 3
SCALE = 16.0


def setup_inputs(seed: int = 0) -> dict:
    key = jax.random.key(seed)
    k1, k2 = jax.random.split(key)
    hidden_states = jax.random.normal(k1, (B, S, D), dtype=jnp.float32)
    weight = jax.random.normal(k2, (E, D), dtype=jnp.float32) * (1.0 / np.sqrt(D))
    return {"hidden_states": hidden_states, "weight": weight}


def reference(hidden_states, weight):
    bsz, seq_len, hidden_dim = hidden_states.shape
    x = hidden_states.reshape(-1, hidden_dim).astype(jnp.float32)
    logits = x @ weight.astype(jnp.float32).T
    scores = jax.nn.softmax(logits, axis=-1)
    n_tokens = bsz * seq_len
    experts_per_group = E // N_GROUP
    # group_limited_greedy routing
    group_scores = scores.reshape(n_tokens, N_GROUP, experts_per_group).max(axis=-1)
    _, group_idx = jax.lax.top_k(group_scores, TOPK_GROUP)
    group_mask = jnp.zeros_like(group_scores).at[
        jnp.arange(n_tokens)[:, None], group_idx
    ].set(1.0)
    score_mask = jnp.broadcast_to(
        group_mask[:, :, None], (n_tokens, N_GROUP, experts_per_group)
    ).reshape(n_tokens, -1)
    tmp_scores = jnp.where(score_mask > 0, scores, 0.0)
    topk_weight, topk_idx = jax.lax.top_k(tmp_scores, TOP_K)
    # norm_topk_prob is False for this config
    topk_weight = topk_weight * SCALE
    return topk_idx, topk_weight

if __name__ == "__main__":
    import jax
    _d = setup_inputs()
    print(jax.jit(kernel)(*tuple(_d.values())))

</pallas_src>

<mosaic_0001>
#map = affine_map<(d0, d1) -> (0)>
module attributes {stable_mosaic.version = 14 : i64} {
  func.func @_sc_route_body(%arg0: i32, %arg1: i32, %arg2: memref<1048576xf32, #tpu.memory_space<hbm>>, %arg3: memref<131072xi32, #tpu.memory_space<hbm>>, %arg4: memref<131072xf32, #tpu.memory_space<hbm>>, %arg5: memref<32768xf32, #tpu.memory_space<vmem>>, %arg6: memref<4096xi32, #tpu.memory_space<vmem>>, %arg7: memref<4096xf32, #tpu.memory_space<vmem>>) attributes {dimension_semantics = [#tpu.dimension_semantics<core_parallel>, #tpu.dimension_semantics<subcore_parallel>], iteration_bounds = array<i64: 2, 16>, scalar_prefetch = 0 : i64, scratch_operands = 3 : i64, tpu.core_type = #tpu.core_type<sc_vector_subcore>, window_params = [{transform_indices = #map}, {transform_indices = #map}, {transform_indices = #map}]} {
    %iota3A = tpu.iota {dimensions = array<i32: 0>} : vector<16xi32>
    %mul3A = arith.constant 2 : i32
    %mul3A_0 = arith.muli %arg1, %mul3A : i32
    %add3A = arith.addi %mul3A_0, %arg0 : i32
    %mul3A_1 = arith.constant 32768 : i32
    %mul3A_2 = arith.muli %add3A, %mul3A_1 : i32
    "tpu.region"() ({
      %run_scoped3A = tpu.sem_alloc : memref<!tpu.dma_semaphore, #tpu.memory_space<semaphore_mem>>
      %dma_start3A = tpu.memref_slice %arg2[%mul3A_2] : memref<1048576xf32, #tpu.memory_space<hbm>> -> memref<32768xf32, #tpu.memory_space<hbm>>
      %dma_start3A_72 = tpu.memref_slice %arg2[%mul3A_2] : memref<1048576xf32, #tpu.memory_space<hbm>> -> memref<32768xf32, #tpu.memory_space<hbm>>
      tpu.enqueue_dma source(%dma_start3A_72 : memref<32768xf32, #tpu.memory_space<hbm>>) target(%arg5 : memref<32768xf32, #tpu.memory_space<vmem>>) target_semaphore(%run_scoped3A : memref<!tpu.dma_semaphore, #tpu.memory_space<semaphore_mem>>)
      %dma_wait3A = tpu.memref_slice %arg2[%mul3A_2] : memref<1048576xf32, #tpu.memory_space<hbm>> -> memref<32768xf32, #tpu.memory_space<hbm>>
      %dma_wait3A_73 = tpu.memref_slice %arg2[%mul3A_2] : memref<1048576xf32, #tpu.memory_space<hbm>> -> memref<32768xf32, #tpu.memory_space<hbm>>
      tpu.wait_dma2 semaphore(%run_scoped3A : memref<!tpu.dma_semaphore, #tpu.memory_space<semaphore_mem>>) src(%dma_wait3A_73 : memref<32768xf32, #tpu.memory_space<hbm>>) dst(%arg5 : memref<32768xf32, #tpu.memory_space<vmem>>)
      tpu.yield
    }) : () -> ()
    %xor3A = arith.constant 1 : i32
    %xor3A_3 = vector.broadcast %xor3A : i32 to vector<16xi32>
    %xor3A_4 = arith.xori %iota3A, %xor3A_3 : vector<16xi32>
    %xor3A_5 = arith.constant 2 : i32
    %xor3A_6 = vector.broadcast %xor3A_5 : i32 to vector<16xi32>
    %xor3A_7 = arith.xori %iota3A, %xor3A_6 : vector<16xi32>
    %xor3A_8 = arith.constant 4 : i32
    %xor3A_9 = vector.broadcast %xor3A_8 : i32 to vector<16xi32>
    %xor3A_10 = arith.xori %iota3A, %xor3A_9 : vector<16xi32>
    %broadcast_in_dim3A = arith.constant 0 : i32
    %broadcast_in_dim3A_11 = vector.broadcast %broadcast_in_dim3A : i32 to vector<16xi32>
    %add3A_12 = arith.constant 1 : i32
    %add3A_13 = vector.broadcast %add3A_12 : i32 to vector<16xi32>
    %add3A_14 = arith.addi %broadcast_in_dim3A_11, %add3A_13 : vector<16xi32>
    %add3A_15 = arith.constant 2 : i32
    %add3A_16 = vector.broadcast %add3A_15 : i32 to vector<16xi32>
    %add3A_17 = arith.addi %broadcast_in_dim3A_11, %add3A_16 : vector<16xi32>
    %add3A_18 = arith.constant 8 : i32
    %add3A_19 = vector.broadcast %add3A_18 : i32 to vector<16xi32>
    %add3A_20 = arith.addi %broadcast_in_dim3A_11, %add3A_19 : vector<16xi32>
    %sub3A = arith.constant 8 : i32
    %sub3A_21 = vector.broadcast %sub3A : i32 to vector<16xi32>
    %sub3A_22 = arith.subi %iota3A, %sub3A_21 : vector<16xi32>
    %and3A = arith.constant 15 : i32
    %and3A_23 = vector.broadcast %and3A : i32 to vector<16xi32>
    %and3A_24 = arith.andi %sub3A_22, %and3A_23 : vector<16xi32>
    %lt3A = arith.constant 8 : i32
    %lt3A_25 = vector.broadcast %lt3A : i32 to vector<16xi32>
    %lt3A_26 = arith.cmpi slt, %iota3A, %lt3A_25 : vector<16xi32>
    %add3A_27 = arith.constant 0 : i32
    %add3A_28 = vector.broadcast %add3A_27 : i32 to vector<16xi32>
    %add3A_29 = arith.addi %iota3A, %add3A_28 : vector<16xi32>
    %add3A_30 = arith.constant 16 : i32
    %add3A_31 = vector.broadcast %add3A_30 : i32 to vector<16xi32>
    %add3A_32 = arith.addi %iota3A, %add3A_31 : vector<16xi32>
    %add3A_33 = arith.constant 32 : i32
    %add3A_34 = vector.broadcast %add3A_33 : i32 to vector<16xi32>
    %add3A_35 = arith.addi %iota3A, %add3A_34 : vector<16xi32>
    %add3A_36 = arith.constant 48 : i32
    %add3A_37 = vector.broadcast %add3A_36 : i32 to vector<16xi32>
    %add3A_38 = arith.addi %iota3A, %add3A_37 : vector<16xi32>
    %add3A_39 = arith.constant 0 : i32
    %add3A_40 = vector.broadcast %add3A_39 : i32 to vector<16xi32>
    %add3A_41 = arith.addi %iota3A, %add3A_40 : vector<16xi32>
    %shift_right_arithmetic3A = arith.constant 3 : i32
    %shift_right_arithmetic3A_42 = vector.broadcast %shift_right_arithmetic3A : i32 to vector<16xi32>
    %shift_right_arithmetic3A_43 = arith.shrsi %add3A_41, %shift_right_arithmetic3A_42 : vector<16xi32>
    %add3A_44 = arith.constant 16 : i32
    %add3A_45 = vector.broadcast %add3A_44 : i32 to vector<16xi32>
    %add3A_46 = arith.addi %iota3A, %add3A_45 : vector<16xi32>
    %shift_right_arithmetic3A_47 = arith.constant 3 : i32
    %shift_right_arithmetic3A_48 = vector.broadcast %shift_right_arithmetic3A_47 : i32 to vector<16xi32>
    %shift_right_arithmetic3A_49 = arith.shrsi %add3A_46, %shift_right_arithmetic3A_48 : vector<16xi32>
    %add3A_50 = arith.constant 32 : i32
    %add3A_51 = vector.broadcast %add3A_50 : i32 to vector<16xi32>
    %add3A_52 = arith.addi %iota3A, %add3A_51 : vector<16xi32>
    %shift_right_arithmetic3A_53 = arith.constant 3 : i32
    %shift_right_arithmetic3A_54 = vector.broadcast %shift_right_arithmetic3A_53 : i32 to vector<16xi32>
    %shift_right_arithmetic3A_55 = arith.shrsi %add3A_52, %shift_right_arithmetic3A_54 : vector<16xi32>
    %add3A_56 = arith.constant 48 : i32
    %add3A_57 = vector.broadcast %add3A_56 : i32 to vector<16xi32>
    %add3A_58 = arith.addi %iota3A, %add3A_57 : vector<16xi32>
    %shift_right_arithmetic3A_59 = arith.constant 3 : i32
    %shift_right_arithmetic3A_60 = vector.broadcast %shift_right_arithmetic3A_59 : i32 to vector<16xi32>
    %shift_right_arithmetic3A_61 = arith.shrsi %add3A_58, %shift_right_arithmetic3A_60 : vector<16xi32>
    %scan3A = arith.constant 0 : i32
    %scan3A_62 = arith.constant 0 : i32
    %scan3A_63 = arith.constant 256 : i32
    %scan3A_64 = arith.addi %scan3A_62, %scan3A_63 : i32
    %scan3A_65 = arith.constant 1 : i32
    %scan3A_66 = scf.for %scan3A_72 = %scan3A_62 to %scan3A_64 step %scan3A_65 iter_args(%scan3A_73 = %scan3A) -> (i32)  : i32 {
      %mul3A_74 = arith.constant 2 : i32
      %mul3A_75 = arith.muli %mul3A_74, %scan3A_72 : i32
      %mul3A_76 = arith.constant 64 : i32
      %mul3A_77 = arith.muli %mul3A_75, %mul3A_76 : i32
      %add3A_78 = arith.constant 0 : i32
      %add3A_79 = arith.addi %mul3A_77, %add3A_78 : i32
      %get3A = arith.index_cast %add3A_79 : i32 to index
      %get3A_80 = tpu.vector_load %arg5[%get3A] {strides = array<i32>} : memref<32768xf32, #tpu.memory_space<vmem>>, vector<16xf32>,
      %mul3A_81 = arith.constant 64 : i32
      %mul3A_82 = arith.muli %mul3A_75, %mul3A_81 : i32
      %add3A_83 = arith.constant 16 : i32
      %add3A_84 = arith.addi %mul3A_82, %add3A_83 : i32
      %get3A_85 = arith.index_cast %add3A_84 : i32 to index
      %get3A_86 = tpu.vector_load %arg5[%get3A_85] {strides = array<i32>} : memref<32768xf32, #tpu.memory_space<vmem>>, vector<16xf32>,
      %mul3A_87 = arith.constant 64 : i32
      %mul3A_88 = arith.muli %mul3A_75, %mul3A_87 : i32
      %add3A_89 = arith.constant 32 : i32
      %add3A_90 = arith.addi %mul3A_88, %add3A_89 : i32
      %get3A_91 = arith.index_cast %add3A_90 : i32 to index
      %get3A_92 = tpu.vector_load %arg5[%get3A_91] {strides = array<i32>} : memref<32768xf32, #tpu.memory_space<vmem>>, vector<16xf32>,
      %mul3A_93 = arith.constant 64 : i32
      %mul3A_94 = arith.muli %mul3A_75, %mul3A_93 : i32
      %add3A_95 = arith.constant 48 : i32
      %add3A_96 = arith.addi %mul3A_94, %add3A_95 : i32
      %get3A_97 = arith.index_cast %add3A_96 : i32 to index
      %get3A_98 = tpu.vector_load %arg5[%get3A_97] {strides = array<i32>} : memref<32768xf32, #tpu.memory_space<vmem>>, vector<16xf32>,
      %broadcast_in_dim3A_99 = vector.shape_cast %xor3A_4 : vector<16xi32> to vector<16x1xi32>
      %gather3A = vector.shape_cast %broadcast_in_dim3A_99 : vector<16x1xi32> to vector<16xi32>
      %gather3A_100 = tpu.dynamic_gather %get3A_80[%gather3A] in [0] : vector<16xf32>, vector<16xi32> -> vector<16xf32>
      %max3A = arith.maximumf %get3A_80, %gather3A_100 : vector<16xf32>
      %broadcast_in_dim3A_101 = vector.shape_cast %xor3A_4 : vector<16xi32> to vector<16x1xi32>
      %gather3A_102 = vector.shape_cast %broadcast_in_dim3A_101 : vector<16x1xi32> to vector<16xi32>
      %gather3A_103 = tpu.dynamic_gather %get3A_86[%gather3A_102] in [0] : vector<16xf32>, vector<16xi32> -> vector<16xf32>
      %max3A_104 = arith.maximumf %get3A_86, %gather3A_103 : vector<16xf32>
      %broadcast_in_dim3A_105 = vector.shape_cast %xor3A_4 : vector<16xi32> to vector<16x1xi32>
      %gather3A_106 = vector.shape_cast %broadcast_in_dim3A_105 : vector<16x1xi32> to vector<16xi32>
      %gather3A_107 = tpu.dynamic_gather %get3A_92[%gather3A_106] in [0] : vector<16xf32>, vector<16xi32> -> vector<16xf32>
      %max3A_108 = arith.maximumf %get3A_92, %gather3A_107 : vector<16xf32>
      %broadcast_in_dim3A_109 = vector.shape_cast %xor3A_4 : vector<16xi32> to vector<16x1xi32>
      %gather3A_110 = vector.shape_cast %broadcast_in_dim3A_109 : vector<16x1xi32> to vector<16xi32>
      %gather3A_111 = tpu.dynamic_gather %get3A_98[%gather3A_110] in [0] : vector<16xf32>, vector<16xi32> -> vector<16xf32>
      %max3A_112 = arith.maximumf %get3A_98, %gather3A_111 : vector<16xf32>
      %broadcast_in_dim3A_113 = vector.shape_cast %xor3A_7 : vector<16xi32> to vector<16x1xi32>
      %gather3A_114 = vector.shape_cast %broadcast_in_dim3A_113 : vector<16x1xi32> to vector<16xi32>
      %gather3A_115 = tpu.dynamic_gather %max3A[%gather3A_114] in [0] : vector<16xf32>, vector<16xi32> -> vector<16xf32>
      %max3A_116 = arith.maximumf %max3A, %gather3A_115 : vector<16xf32>
      %broadcast_in_dim3A_117 = vector.shape_cast %xor3A_7 : vector<16xi32> to vector<16x1xi32>
      %gather3A_118 = vector.shape_cast %broadcast_in_dim3A_117 : vector<16x1xi32> to vector<16xi32>
      %gather3A_119 = tpu.dynamic_gather %max3A_104[%gather3A_118] in [0] : vector<16xf32>, vector<16xi32> -> vector<16xf32>
      %max3A_120 = arith.maximumf %max3A_104, %gather3A_119 : vector<16xf32>
      %broadcast_in_dim3A_121 = vector.shape_cast %xor3A_7 : vector<16xi32> to vector<16x1xi32>
      %gather3A_122 = vector.shape_cast %broadcast_in_dim3A_121 : vector<16x1xi32> to vector<16xi32>
      %gather3A_123 = tpu.dynamic_gather %max3A_108[%gather3A_122] in [0] : vector<16xf32>, vector<16xi32> -> vector<16xf32>
      %max3A_124 = arith.maximumf %max3A_108, %gather3A_123 : vector<16xf32>
      %broadcast_in_dim3A_125 = vector.shape_cast %xor3A_7 : vector<16xi32> to vector<16x1xi32>
      %gather3A_126 = vector.shape_cast %broadcast_in_dim3A_125 : vector<16x1xi32> to vector<16xi32>
      %gather3A_127 = tpu.dynamic_gather %max3A_112[%gather3A_126] in [0] : vector<16xf32>, vector<16xi32> -> vector<16xf32>
      %max3A_128 = arith.maximumf %max3A_112, %gather3A_127 : vector<16xf32>
      %broadcast_in_dim3A_129 = vector.shape_cast %xor3A_10 : vector<16xi32> to vector<16x1xi32>
      %gather3A_130 = vector.shape_cast %broadcast_in_dim3A_129 : vector<16x1xi32> to vector<16xi32>
      %gather3A_131 = tpu.dynamic_gather %max3A_116[%gather3A_130] in [0] : vector<16xf32>, vector<16xi32> -> vector<16xf32>
      %max3A_132 = arith.maximumf %max3A_116, %gather3A_131 : vector<16xf32>
      %broadcast_in_dim3A_133 = vector.shape_cast %xor3A_10 : vector<16xi32> to vector<16x1xi32>
      %gather3A_134 = vector.shape_cast %broadcast_in_dim3A_133 : vector<16x1xi32> to vector<16xi32>
      %gather3A_135 = tpu.dynamic_gather %max3A_120[%gather3A_134] in [0] : vector<16xf32>, vector<16xi32> -> vector<16xf32>
      %max3A_136 = arith.maximumf %max3A_120, %gather3A_135 : vector<16xf32>
      %broadcast_in_dim3A_137 = vector.shape_cast %xor3A_10 : vector<16xi32> to vector<16x1xi32>
      %gather3A_138 = vector.shape_cast %broadcast_in_dim3A_137 : vector<16x1xi32> to vector<16xi32>
      %gather3A_139 = tpu.dynamic_gather %max3A_124[%gather3A_138] in [0] : vector<16xf32>, vector<16xi32> -> vector<16xf32>
      %max3A_140 = arith.maximumf %max3A_124, %gather3A_139 : vector<16xf32>
      %broadcast_in_dim3A_141 = vector.shape_cast %xor3A_10 : vector<16xi32> to vector<16x1xi32>
      %gather3A_142 = vector.shape_cast %broadcast_in_dim3A_141 : vector<16x1xi32> to vector<16xi32>
      %gather3A_143 = tpu.dynamic_gather %max3A_128[%gather3A_142] in [0] : vector<16xf32>, vector<16xi32> -> vector<16xf32>
      %max3A_144 = arith.maximumf %max3A_128, %gather3A_143 : vector<16xf32>
      %broadcast_in_dim3A_145 = arith.constant -1.000000e+00 : f32
      %broadcast_in_dim3A_146 = vector.broadcast %broadcast_in_dim3A_145 : f32 to vector<16xf32>
      %eq3A = arith.constant 0 : i32
      %eq3A_147 = vector.broadcast %eq3A : i32 to vector<16xi32>
      %eq3A_148 = arith.cmpi eq, %iota3A, %eq3A_147 : vector<16xi32>
      %broadcast_in_dim3A_149 = vector.shape_cast %broadcast_in_dim3A_11 : vector<16xi32> to vector<16x1xi32>
      %gather3A_150 = vector.shape_cast %broadcast_in_dim3A_149 : vector<16x1xi32> to vector<16xi32>
      %gather3A_151 = tpu.dynamic_gather %max3A_132[%gather3A_150] in [0] : vector<16xf32>, vector<16xi32> -> vector<16xf32>
      %select_n3A = arith.select %eq3A_148, %gather3A_151, %broadcast_in_dim3A_146 : vector<16xi1>, vector<16xf32>
      %eq3A_152 = arith.constant 1 : i32
      %eq3A_153 = vector.broadcast %eq3A_152 : i32 to vector<16xi32>
      %eq3A_154 = arith.cmpi eq, %iota3A, %eq3A_153 : vector<16xi32>
      %broadcast_in_dim3A_155 = vector.shape_cast %add3A_20 : vector<16xi32> to vector<16x1xi32>
      %gather3A_156 = vector.shape_cast %broadcast_in_dim3A_155 : vector<16x1xi32> to vector<16xi32>
      %gather3A_157 = tpu.dynamic_gather %max3A_132[%gather3A_156] in [0] : vector<16xf32>, vector<16xi32> -> vector<16xf32>
      %select_n3A_158 = arith.select %eq3A_154, %gather3A_157, %select_n3A : vector<16xi1>, vector<16xf32>
      %eq3A_159 = arith.constant 2 : i32
      %eq3A_160 = vector.broadcast %eq3A_159 : i32 to vector<16xi32>
      %eq3A_161 = arith.cmpi eq, %iota3A, %eq3A_160 : vector<16xi32>
      %broadcast_in_dim3A_162 = vector.shape_cast %broadcast_in_dim3A_11 : vector<16xi32> to vector<16x1xi32>
      %gather3A_163 = vector.shape_cast %broadcast_in_dim3A_162 : vector<16x1xi32> to vector<16xi32>
      %gather3A_164 = tpu.dynamic_gather %max3A_136[%gather3A_163] in [0] : vector<16xf32>, vector<16xi32> -> vector<16xf32>
      %select_n3A_165 = arith.select %eq3A_161, %gather3A_164, %select_n3A_158 : vector<16xi1>, vector<16xf32>
      %eq3A_166 = arith.constant 3 : i32
      %eq3A_167 = vector.broadcast %eq3A_166 : i32 to vector<16xi32>
      %eq3A_168 = arith.cmpi eq, %iota3A, %eq3A_167 : vector<16xi32>
      %broadcast_in_dim3A_169 = vector.shape_cast %add3A_20 : vector<16xi32> to vector<16x1xi32>
      %gather3A_170 = vector.shape_cast %broadcast_in_dim3A_169 : vector<16x1xi32> to vector<16xi32>
      %gather3A_171 = tpu.dynamic_gather %max3A_136[%gather3A_170] in [0] : vector<16xf32>, vector<16xi32> -> vector<16xf32>
      %select_n3A_172 = arith.select %eq3A_168, %gather3A_171, %select_n3A_165 : vector<16xi1>, vector<16xf32>
      %eq3A_173 = arith.constant 4 : i32
      %eq3A_174 = vector.broadcast %eq3A_173 : i32 to vector<16xi32>
      %eq3A_175 = arith.cmpi eq, %iota3A, %eq3A_174 : vector<16xi32>
      %broadcast_in_dim3A_176 = vector.shape_cast %broadcast_in_dim3A_11 : vector<16xi32> to vector<16x1xi32>
      %gather3A_177 = vector.shape_cast %broadcast_in_dim3A_176 : vector<16x1xi32> to vector<16xi32>
      %gather3A_178 = tpu.dynamic_gather %max3A_140[%gather3A_177] in [0] : vector<16xf32>, vector<16xi32> -> vector<16xf32>
      %select_n3A_179 = arith.select %eq3A_175, %gather3A_178, %select_n3A_172 : vector<16xi1>, vector<16xf32>
      %eq3A_180 = arith.constant 5 : i32
      %eq3A_181 = vector.broadcast %eq3A_180 : i32 to vector<16xi32>
      %eq3A_182 = arith.cmpi eq, %iota3A, %eq3A_181 : vector<16xi32>
      %broadcast_in_dim3A_183 = vector.shape_cast %add3A_20 : vector<16xi32> to vector<16x1xi32>
      %gather3A_184 = vector.shape_cast %broadcast_in_dim3A_183 : vector<16x1xi32> to vector<16xi32>
      %gather3A_185 = tpu.dynamic_gather %max3A_140[%gather3A_184] in [0] : vector<16xf32>, vector<16xi32> -> vector<16xf32>
      %select_n3A_186 = arith.select %eq3A_182, %gather3A_185, %select_n3A_179 : vector<16xi1>, vector<16xf32>
      %eq3A_187 = arith.constant 6 : i32
      %eq3A_188 = vector.broadcast %eq3A_187 : i32 to vector<16xi32>
      %eq3A_189 = arith.cmpi eq, %iota3A, %eq3A_188 : vector<16xi32>
      %broadcast_in_dim3A_190 = vector.shape_cast %broadcast_in_dim3A_11 : vector<16xi32> to vector<16x1xi32>
      %gather3A_191 = vector.shape_cast %broadcast_in_dim3A_190 : vector<16x1xi32> to vector<16xi32>
      %gather3A_192 = tpu.dynamic_gather %max3A_144[%gather3A_191] in [0] : vector<16xf32>, vector<16xi32> -> vector<16xf32>
      %select_n3A_193 = arith.select %eq3A_189, %gather3A_192, %select_n3A_186 : vector<16xi1>, vector<16xf32>
      %eq3A_194 = arith.constant 7 : i32
      %eq3A_195 = vector.broadcast %eq3A_194 : i32 to vector<16xi32>
      %eq3A_196 = arith.cmpi eq, %iota3A, %eq3A_195 : vector<16xi32>
      %broadcast_in_dim3A_197 = vector.shape_cast %add3A_20 : vector<16xi32> to vector<16x1xi32>
      %gather3A_198 = vector.shape_cast %broadcast_in_dim3A_197 : vector<16x1xi32> to vector<16xi32>
      %gather3A_199 = tpu.dynamic_gather %max3A_144[%gather3A_198] in [0] : vector<16xf32>, vector<16xi32> -> vector<16xf32>
      %select_n3A_200 = arith.select %eq3A_196, %gather3A_199, %select_n3A_193 : vector<16xi1>, vector<16xf32>
      %masked_sort3A = arith.constant dense<true> : vector<16xi1>
      %masked_sort3A_201, %masked_sort3A_202, %masked_sort3A_203 = tpu.sort %select_n3A_200, %iota3A masked %masked_sort3A {descending = true} : (vector<16xf32>, vector<16xi32>, vector<16xi1>) -> (vector<16xi1>, vector<16xf32>, vector<16xi32>)
      %broadcast_in_dim3A_204 = vector.shape_cast %broadcast_in_dim3A_11 : vector<16xi32> to vector<16x1xi32>
      %gather3A_205 = vector.shape_cast %broadcast_in_dim3A_204 : vector<16x1xi32> to vector<16xi32>
      %gather3A_206 = tpu.dynamic_gather %masked_sort3A_203[%gather3A_205] in [0] : vector<16xi32>, vector<16xi32> -> vector<16xi32>
      %broadcast_in_dim3A_207 = vector.shape_cast %add3A_14 : vector<16xi32> to vector<16x1xi32>
      %gather3A_208 = vector.shape_cast %broadcast_in_dim3A_207 : vector<16x1xi32> to vector<16xi32>
      %gather3A_209 = tpu.dynamic_gather %masked_sort3A_203[%gather3A_208] in [0] : vector<16xi32>, vector<16xi32> -> vector<16xi32>
      %broadcast_in_dim3A_210 = vector.shape_cast %add3A_17 : vector<16xi32> to vector<16x1xi32>
      %gather3A_211 = vector.shape_cast %broadcast_in_dim3A_210 : vector<16x1xi32> to vector<16xi32>
      %gather3A_212 = tpu.dynamic_gather %masked_sort3A_203[%gather3A_211] in [0] : vector<16xi32>, vector<16xi32> -> vector<16xi32>
      %eq3A_213 = arith.cmpi eq, %shift_right_arithmetic3A_43, %gather3A_206 : vector<16xi32>
      %eq3A_214 = arith.cmpi eq, %shift_right_arithmetic3A_43, %gather3A_209 : vector<16xi32>
      %or3A = arith.ori %eq3A_213, %eq3A_214 : vector<16xi1>
      %eq3A_215 = arith.cmpi eq, %shift_right_arithmetic3A_43, %gather3A_212 : vector<16xi32>
      %or3A_216 = arith.ori %or3A, %eq3A_215 : vector<16xi1>
      %jit3A = arith.constant -1.000000e+00 : f32
      %broadcast_in_dim3A_217 = vector.broadcast %jit3A : f32 to vector<16xf32>
      %select_n3A_218 = arith.select %or3A_216, %get3A_80, %broadcast_in_dim3A_217 : vector<16xi1>, vector<16xf32>
      %masked_sort3A_219 = arith.constant dense<true> : vector<16xi1>
      %masked_sort3A_220, %masked_sort3A_221, %masked_sort3A_222 = tpu.sort %select_n3A_218, %add3A_29 masked %masked_sort3A_219 {descending = true} : (vector<16xf32>, vector<16xi32>, vector<16xi1>) -> (vector<16xi1>, vector<16xf32>, vector<16xi32>)
      %eq3A_223 = arith.cmpi eq, %shift_right_arithmetic3A_49, %gather3A_206 : vector<16xi32>
      %eq3A_224 = arith.cmpi eq, %shift_right_arithmetic3A_49, %gather3A_209 : vector<16xi32>
      %or3A_225 = arith.ori %eq3A_223, %eq3A_224 : vector<16xi1>
      %eq3A_226 = arith.cmpi eq, %shift_right_arithmetic3A_49, %gather3A_212 : vector<16xi32>
      %or3A_227 = arith.ori %or3A_225, %eq3A_226 : vector<16xi1>
      %jit3A_228 = arith.constant -1.000000e+00 : f32
      %broadcast_in_dim3A_229 = vector.broadcast %jit3A_228 : f32 to vector<16xf32>
      %select_n3A_230 = arith.select %or3A_227, %get3A_86, %broadcast_in_dim3A_229 : vector<16xi1>, vector<16xf32>
      %masked_sort3A_231 = arith.constant dense<true> : vector<16xi1>
      %masked_sort3A_232, %masked_sort3A_233, %masked_sort3A_234 = tpu.sort %select_n3A_230, %add3A_32 masked %masked_sort3A_231 {descending = true} : (vector<16xf32>, vector<16xi32>, vector<16xi1>) -> (vector<16xi1>, vector<16xf32>, vector<16xi32>)
      %eq3A_235 = arith.cmpi eq, %shift_right_arithmetic3A_55, %gather3A_206 : vector<16xi32>
      %eq3A_236 = arith.cmpi eq, %shift_right_arithmetic3A_55, %gather3A_209 : vector<16xi32>
      %or3A_237 = arith.ori %eq3A_235, %eq3A_236 : vector<16xi1>
      %eq3A_238 = arith.cmpi eq, %shift_right_arithmetic3A_55, %gather3A_212 : vector<16xi32>
      %or3A_239 = arith.ori %or3A_237, %eq3A_238 : vector<16xi1>
      %jit3A_240 = arith.constant -1.000000e+00 : f32
      %broadcast_in_dim3A_241 = vector.broadcast %jit3A_240 : f32 to vector<16xf32>
      %select_n3A_242 = arith.select %or3A_239, %get3A_92, %broadcast_in_dim3A_241 : vector<16xi1>, vector<16xf32>
      %masked_sort3A_243 = arith.constant dense<true> : vector<16xi1>
      %masked_sort3A_244, %masked_sort3A_245, %masked_sort3A_246 = tpu.sort %select_n3A_242, %add3A_35 masked %masked_sort3A_243 {descending = true} : (vector<16xf32>, vector<16xi32>, vector<16xi1>) -> (vector<16xi1>, vector<16xf32>, vector<16xi32>)
      %eq3A_247 = arith.cmpi eq, %shift_right_arithmetic3A_61, %gather3A_206 : vector<16xi32>
      %eq3A_248 = arith.cmpi eq, %shift_right_arithmetic3A_61, %gather3A_209 : vector<16xi32>
      %or3A_249 = arith.ori %eq3A_247, %eq3A_248 : vector<16xi1>
      %eq3A_250 = arith.cmpi eq, %shift_right_arithmetic3A_61, %gather3A_212 : vector<16xi32>
      %or3A_251 = arith.ori %or3A_249, %eq3A_250 : vector<16xi1>
      %jit3A_252 = arith.constant -1.000000e+00 : f32
      %broadcast_in_dim3A_253 = vector.broadcast %jit3A_252 : f32 to vector<16xf32>
      %select_n3A_254 = arith.select %or3A_251, %get3A_98, %broadcast_in_dim3A_253 : vector<16xi1>, vector<16xf32>
      %masked_sort3A_255 = arith.constant dense<true> : vector<16xi1>
      %masked_sort3A_256, %masked_sort3A_257, %masked_sort3A_258 = tpu.sort %select_n3A_254, %add3A_38 masked %masked_sort3A_255 {descending = true} : (vector<16xf32>, vector<16xi32>, vector<16xi1>) -> (vector<16xi1>, vector<16xf32>, vector<16xi32>)
      %rev3A = arith.constant 15 : i32
      %rev3A_259 = vector.broadcast %rev3A : i32 to vector<16xi32>
      %rev3A_260 = tpu.iota {dimensions = array<i32: 0>} : vector<16xi32>
      %rev3A_261 = arith.subi %rev3A_259, %rev3A_260 : vector<16xi32>
      %rev3A_262 = tpu.dynamic_gather %masked_sort3A_233[%rev3A_261] in [0] : vector<16xf32>, vector<16xi32> -> vector<16xf32>
      %select_n3A_263 = arith.select %lt3A_26, %masked_sort3A_221, %rev3A_262 : vector<16xi1>, vector<16xf32>
      %rev3A_264 = arith.constant 15 : i32
      %rev3A_265 = vector.broadcast %rev3A_264 : i32 to vector<16xi32>
      %rev3A_266 = tpu.iota {dimensions = array<i32: 0>} : vector<16xi32>
      %rev3A_267 = arith.subi %rev3A_265, %rev3A_266 : vector<16xi32>
      %rev3A_268 = tpu.dynamic_gather %masked_sort3A_234[%rev3A_267] in [0] : vector<16xi32>, vector<16xi32> -> vector<16xi32>
      %select_n3A_269 = arith.select %lt3A_26, %masked_sort3A_222, %rev3A_268 : vector<16xi1>, vector<16xi32>
      %masked_sort3A_270 = arith.constant dense<true> : vector<16xi1>
      %masked_sort3A_271, %masked_sort3A_272, %masked_sort3A_273 = tpu.sort %select_n3A_263, %select_n3A_269 masked %masked_sort3A_270 {descending = true} : (vector<16xf32>, vector<16xi32>, vector<16xi1>) -> (vector<16xi1>, vector<16xf32>, vector<16xi32>)
      %rev3A_274 = arith.constant 15 : i32
      %rev3A_275 = vector.broadcast %rev3A_274 : i32 to vector<16xi32>
      %rev3A_276 = tpu.iota {dimensions = array<i32: 0>} : vector<16xi32>
      %rev3A_277 = arith.subi %rev3A_275, %rev3A_276 : vector<16xi32>
      %rev3A_278 = tpu.dynamic_gather %masked_sort3A_257[%rev3A_277] in [0] : vector<16xf32>, vector<16xi32> -> vector<16xf32>
      %select_n3A_279 = arith.select %lt3A_26, %masked_sort3A_245, %rev3A_278 : vector<16xi1>, vector<16xf32>
      %rev3A_280 = arith.constant 15 : i32
      %rev3A_281 = vector.broadcast %rev3A_280 : i32 to vector<16xi32>
      %rev3A_282 = tpu.iota {dimensions = array<i32: 0>} : vector<16xi32>
      %rev3A_283 = arith.subi %rev3A_281, %rev3A_282 : vector<16xi32>
      %rev3A_284 = tpu.dynamic_gather %masked_sort3A_258[%rev3A_283] in [0] : vector<16xi32>, vector<16xi32> -> vector<16xi32>
      %select_n3A_285 = arith.select %lt3A_26, %masked_sort3A_246, %rev3A_284 : vector<16xi1>, vector<16xi32>
      %masked_sort3A_286 = arith.constant dense<true> : vector<16xi1>
      %masked_sort3A_287, %masked_sort3A_288, %masked_sort3A_289 = tpu.sort %select_n3A_279, %select_n3A_285 masked %masked_sort3A_286 {descending = true} : (vector<16xf32>, vector<16xi32>, vector<16xi1>) -> (vector<16xi1>, vector<16xf32>, vector<16xi32>)
      %rev3A_290 = arith.constant 15 : i32
      %rev3A_291 = vector.broadcast %rev3A_290 : i32 to vector<16xi32>
      %rev3A_292 = tpu.iota {dimensions = array<i32: 0>} : vector<16xi32>
      %rev3A_293 = arith.subi %rev3A_291, %rev3A_292 : vector<16xi32>
      %rev3A_294 = tpu.dynamic_gather %masked_sort3A_288[%rev3A_293] in [0] : vector<16xf32>, vector<16xi32> -> vector<16xf32>
      %select_n3A_295 = arith.select %lt3A_26, %masked_sort3A_272, %rev3A_294 : vector<16xi1>, vector<16xf32>
      %rev3A_296 = arith.constant 15 : i32
      %rev3A_297 = vector.broadcast %rev3A_296 : i32 to vector<16xi32>
      %rev3A_298 = tpu.iota {dimensions = array<i32: 0>} : vector<16xi32>
      %rev3A_299 = arith.subi %rev3A_297, %rev3A_298 : vector<16xi32>
      %rev3A_300 = tpu.dynamic_gather %masked_sort3A_289[%rev3A_299] in [0] : vector<16xi32>, vector<16xi32> -> vector<16xi32>
      %select_n3A_301 = arith.select %lt3A_26, %masked_sort3A_273, %rev3A_300 : vector<16xi1>, vector<16xi32>
      %masked_sort3A_302 = arith.constant dense<true> : vector<16xi1>
      %masked_sort3A_303, %masked_sort3A_304, %masked_sort3A_305 = tpu.sort %select_n3A_295, %select_n3A_301 masked %masked_sort3A_302 {descending = true} : (vector<16xf32>, vector<16xi32>, vector<16xi1>) -> (vector<16xi1>, vector<16xf32>, vector<16xi32>)
      %mul3A_306 = arith.constant 2 : i32
      %mul3A_307 = arith.muli %mul3A_306, %scan3A_72 : i32
      %add3A_308 = arith.constant 1 : i32
      %add3A_309 = arith.addi %mul3A_307, %add3A_308 : i32
      %mul3A_310 = arith.constant 64 : i32
      %mul3A_311 = arith.muli %add3A_309, %mul3A_310 : i32
      %add3A_312 = arith.constant 0 : i32
      %add3A_313 = arith.addi %mul3A_311, %add3A_312 : i32
      %get3A_314 = arith.index_cast %add3A_313 : i32 to index
      %get3A_315 = tpu.vector_load %arg5[%get3A_314] {strides = array<i32>} : memref<32768xf32, #tpu.memory_space<vmem>>, vector<16xf32>,
      %mul3A_316 = arith.constant 64 : i32
      %mul3A_317 = arith.muli %add3A_309, %mul3A_316 : i32
      %add3A_318 = arith.constant 16 : i32
      %add3A_319 = arith.addi %mul3A_317, %add3A_318 : i32
      %get3A_320 = arith.index_cast %add3A_319 : i32 to index
      %get3A_321 = tpu.vector_load %arg5[%get3A_320] {strides = array<i32>} : memref<32768xf32, #tpu.memory_space<vmem>>, vector<16xf32>,
      %mul3A_322 = arith.constant 64 : i32
      %mul3A_323 = arith.muli %add3A_309, %mul3A_322 : i32
      %add3A_324 = arith.constant 32 : i32
      %add3A_325 = arith.addi %mul3A_323, %add3A_324 : i32
      %get3A_326 = arith.index_cast %add3A_325 : i32 to index
      %get3A_327 = tpu.vector_load %arg5[%get3A_326] {strides = array<i32>} : memref<32768xf32, #tpu.memory_space<vmem>>, vector<16xf32>,
      %mul3A_328 = arith.constant 64 : i32
      %mul3A_329 = arith.muli %add3A_309, %mul3A_328 : i32
      %add3A_330 = arith.constant 48 : i32
      %add3A_331 = arith.addi %mul3A_329, %add3A_330 : i32
      %get3A_332 = arith.index_cast %add3A_331 : i32 to index
      %get3A_333 = tpu.vector_load %arg5[%get3A_332] {strides = array<i32>} : memref<32768xf32, #tpu.memory_space<vmem>>, vector<16xf32>,
      %broadcast_in_dim3A_334 = vector.shape_cast %xor3A_4 : vector<16xi32> to vector<16x1xi32>
      %gather3A_335 = vector.shape_cast %broadcast_in_dim3A_334 : vector<16x1xi32> to vector<16xi32>
      %gather3A_336 = tpu.dynamic_gather %get3A_315[%gather3A_335] in [0] : vector<16xf32>, vector<16xi32> -> vector<16xf32>
      %max3A_337 = arith.maximumf %get3A_315, %gather3A_336 : vector<16xf32>
      %broadcast_in_dim3A_338 = vector.shape_cast %xor3A_4 : vector<16xi32> to vector<16x1xi32>
      %gather3A_339 = vector.shape_cast %broadcast_in_dim3A_338 : vector<16x1xi32> to vector<16xi32>
      %gather3A_340 = tpu.dynamic_gather %get3A_321[%gather3A_339] in [0] : vector<16xf32>, vector<16xi32> -> vector<16xf32>
      %max3A_341 = arith.maximumf %get3A_321, %gather3A_340 : vector<16xf32>
      %broadcast_in_dim3A_342 = vector.shape_cast %xor3A_4 : vector<16xi32> to vector<16x1xi32>
      %gather3A_343 = vector.shape_cast %broadcast_in_dim3A_342 : vector<16x1xi32> to vector<16xi32>
      %gather3A_344 = tpu.dynamic_gather %get3A_327[%gather3A_343] in [0] : vector<16xf32>, vector<16xi32> -> vector<16xf32>
      %max3A_345 = arith.maximumf %get3A_327, %gather3A_344 : vector<16xf32>
      %broadcast_in_dim3A_346 = vector.shape_cast %xor3A_4 : vector<16xi32> to vector<16x1xi32>
      %gather3A_347 = vector.shape_cast %broadcast_in_dim3A_346 : vector<16x1xi32> to vector<16xi32>
      %gather3A_348 = tpu.dynamic_gather %get3A_333[%gather3A_347] in [0] : vector<16xf32>, vector<16xi32> -> vector<16xf32>
      %max3A_349 = arith.maximumf %get3A_333, %gather3A_348 : vector<16xf32>
      %broadcast_in_dim3A_350 = vector.shape_cast %xor3A_7 : vector<16xi32> to vector<16x1xi32>
      %gather3A_351 = vector.shape_cast %broadcast_in_dim3A_350 : vector<16x1xi32> to vector<16xi32>
      %gather3A_352 = tpu.dynamic_gather %max3A_337[%gather3A_351] in [0] : vector<16xf32>, vector<16xi32> -> vector<16xf32>
      %max3A_353 = arith.maximumf %max3A_337, %gather3A_352 : vector<16xf32>
      %broadcast_in_dim3A_354 = vector.shape_cast %xor3A_7 : vector<16xi32> to vector<16x1xi32>
      %gather3A_355 = vector.shape_cast %broadcast_in_dim3A_354 : vector<16x1xi32> to vector<16xi32>
      %gather3A_356 = tpu.dynamic_gather %max3A_341[%gather3A_355] in [0] : vector<16xf32>, vector<16xi32> -> vector<16xf32>
      %max3A_357 = arith.maximumf %max3A_341, %gather3A_356 : vector<16xf32>
      %broadcast_in_dim3A_358 = vector.shape_cast %xor3A_7 : vector<16xi32> to vector<16x1xi32>
      %gather3A_359 = vector.shape_cast %broadcast_in_dim3A_358 : vector<16x1xi32> to vector<16xi32>
      %gather3A_360 = tpu.dynamic_gather %max3A_345[%gather3A_359] in [0] : vector<16xf32>, vector<16xi32> -> vector<16xf32>
      %max3A_361 = arith.maximumf %max3A_345, %gather3A_360 : vector<16xf32>
      %broadcast_in_dim3A_362 = vector.shape_cast %xor3A_7 : vector<16xi32> to vector<16x1xi32>
      %gather3A_363 = vector.shape_cast %broadcast_in_dim3A_362 : vector<16x1xi32> to vector<16xi32>
      %gather3A_364 = tpu.dynamic_gather %max3A_349[%gather3A_363] in [0] : vector<16xf32>, vector<16xi32> -> vector<16xf32>
      %max3A_365 = arith.maximumf %max3A_349, %gather3A_364 : vector<16xf32>
      %broadcast_in_dim3A_366 = vector.shape_cast %xor3A_10 : vector<16xi32> to vector<16x1xi32>
      %gather3A_367 = vector.shape_cast %broadcast_in_dim3A_366 : vector<16x1xi32> to vector<16xi32>
      %gather3A_368 = tpu.dynamic_gather %max3A_353[%gather3A_367] in [0] : vector<16xf32>, vector<16xi32> -> vector<16xf32>
      %max3A_369 = arith.maximumf %max3A_353, %gather3A_368 : vector<16xf32>
      %broadcast_in_dim3A_370 = vector.shape_cast %xor3A_10 : vector<16xi32> to vector<16x1xi32>
      %gather3A_371 = vector.shape_cast %broadcast_in_dim3A_370 : vector<16x1xi32> to vector<16xi32>
      %gather3A_372 = tpu.dynamic_gather %max3A_357[%gather3A_371] in [0] : vector<16xf32>, vector<16xi32> -> vector<16xf32>
      %max3A_373 = arith.maximumf %max3A_357, %gather3A_372 : vector<16xf32>
      %broadcast_in_dim3A_374 = vector.shape_cast %xor3A_10 : vector<16xi32> to vector<16x1xi32>
      %gather3A_375 = vector.shape_cast %broadcast_in_dim3A_374 : vector<16x1xi32> to vector<16xi32>
      %gather3A_376 = tpu.dynamic_gather %max3A_361[%gather3A_375] in [0] : vector<16xf32>, vector<16xi32> -> vector<16xf32>
      %max3A_377 = arith.maximumf %max3A_361, %gather3A_376 : vector<16xf32>
      %broadcast_in_dim3A_378 = vector.shape_cast %xor3A_10 : vector<16xi32> to vector<16x1xi32>
      %gather3A_379 = vector.shape_cast %broadcast_in_dim3A_378 : vector<16x1xi32> to vector<16xi32>
      %gather3A_380 = tpu.dynamic_gather %max3A_365[%gather3A_379] in [0] : vector<16xf32>, vector<16xi32> -> vector<16xf32>
      %max3A_381 = arith.maximumf %max3A_365, %gather3A_380 : vector<16xf32>
      %broadcast_in_dim3A_382 = arith.constant -1.000000e+00 : f32
      %broadcast_in_dim3A_383 = vector.broadcast %broadcast_in_dim3A_382 : f32 to vector<16xf32>
      %eq3A_384 = arith.constant 0 : i32
      %eq3A_385 = vector.broadcast %eq3A_384 : i32 to vector<16xi32>
      %eq3A_386 = arith.cmpi eq, %iota3A, %eq3A_385 : vector<16xi32>
      %broadcast_in_dim3A_387 = vector.shape_cast %broadcast_in_dim3A_11 : vector<16xi32> to vector<16x1xi32>
      %gather3A_388 = vector.shape_cast %broadcast_in_dim3A_387 : vector<16x1xi32> to vector<16xi32>
      %gather3A_389 = tpu.dynamic_gather %max3A_369[%gather3A_388] in [0] : vector<16xf32>, vector<16xi32> -> vector<16xf32>
      %select_n3A_390 = arith.select %eq3A_386, %gather3A_389, %broadcast_in_dim3A_383 : vector<16xi1>, vector<16xf32>
      %eq3A_391 = arith.constant 1 : i32
      %eq3A_392 = vector.broadcast %eq3A_391 : i32 to vector<16xi32>
      %eq3A_393 = arith.cmpi eq, %iota3A, %eq3A_392 : vector<16xi32>
      %broadcast_in_dim3A_394 = vector.shape_cast %add3A_20 : vector<16xi32> to vector<16x1xi32>
      %gather3A_395 = vector.shape_cast %broadcast_in_dim3A_394 : vector<16x1xi32> to vector<16xi32>
      %gather3A_396 = tpu.dynamic_gather %max3A_369[%gather3A_395] in [0] : vector<16xf32>, vector<16xi32> -> vector<16xf32>
      %select_n3A_397 = arith.select %eq3A_393, %gather3A_396, %select_n3A_390 : vector<16xi1>, vector<16xf32>
      %eq3A_398 = arith.constant 2 : i32
      %eq3A_399 = vector.broadcast %eq3A_398 : i32 to vector<16xi32>
      %eq3A_400 = arith.cmpi eq, %iota3A, %eq3A_399 : vector<16xi32>
      %broadcast_in_dim3A_401 = vector.shape_cast %broadcast_in_dim3A_11 : vector<16xi32> to vector<16x1xi32>
      %gather3A_402 = vector.shape_cast %broadcast_in_dim3A_401 : vector<16x1xi32> to vector<16xi32>
      %gather3A_403 = tpu.dynamic_gather %max3A_373[%gather3A_402] in [0] : vector<16xf32>, vector<16xi32> -> vector<16xf32>
      %select_n3A_404 = arith.select %eq3A_400, %gather3A_403, %select_n3A_397 : vector<16xi1>, vector<16xf32>
      %eq3A_405 = arith.constant 3 : i32
      %eq3A_406 = vector.broadcast %eq3A_405 : i32 to vector<16xi32>
      %eq3A_407 = arith.cmpi eq, %iota3A, %eq3A_406 : vector<16xi32>
      %broadcast_in_dim3A_408 = vector.shape_cast %add3A_20 : vector<16xi32> to vector<16x1xi32>
      %gather3A_409 = vector.shape_cast %broadcast_in_dim3A_408 : vector<16x1xi32> to vector<16xi32>
      %gather3A_410 = tpu.dynamic_gather %max3A_373[%gather3A_409] in [0] : vector<16xf32>, vector<16xi32> -> vector<16xf32>
      %select_n3A_411 = arith.select %eq3A_407, %gather3A_410, %select_n3A_404 : vector<16xi1>, vector<16xf32>
      %eq3A_412 = arith.constant 4 : i32
      %eq3A_413 = vector.broadcast %eq3A_412 : i32 to vector<16xi32>
      %eq3A_414 = arith.cmpi eq, %iota3A, %eq3A_413 : vector<16xi32>
      %broadcast_in_dim3A_415 = vector.shape_cast %broadcast_in_dim3A_11 : vector<16xi32> to vector<16x1xi32>
      %gather3A_416 = vector.shape_cast %broadcast_in_dim3A_415 : vector<16x1xi32> to vector<16xi32>
      %gather3A_417 = tpu.dynamic_gather %max3A_377[%gather3A_416] in [0] : vector<16xf32>, vector<16xi32> -> vector<16xf32>
      %select_n3A_418 = arith.select %eq3A_414, %gather3A_417, %select_n3A_411 : vector<16xi1>, vector<16xf32>
      %eq3A_419 = arith.constant 5 : i32
      %eq3A_420 = vector.broadcast %eq3A_419 : i32 to vector<16xi32>
      %eq3A_421 = arith.cmpi eq, %iota3A, %eq3A_420 : vector<16xi32>
      %broadcast_in_dim3A_422 = vector.shape_cast %add3A_20 : vector<16xi32> to vector<16x1xi32>
      %gather3A_423 = vector.shape_cast %broadcast_in_dim3A_422 : vector<16x1xi32> to vector<16xi32>
      %gather3A_424 = tpu.dynamic_gather %max3A_377[%gather3A_423] in [0] : vector<16xf32>, vector<16xi32> -> vector<16xf32>
      %select_n3A_425 = arith.select %eq3A_421, %gather3A_424, %select_n3A_418 : vector<16xi1>, vector<16xf32>
      %eq3A_426 = arith.constant 6 : i32
      %eq3A_427 = vector.broadcast %eq3A_426 : i32 to vector<16xi32>
      %eq3A_428 = arith.cmpi eq, %iota3A, %eq3A_427 : vector<16xi32>
      %broadcast_in_dim3A_429 = vector.shape_cast %broadcast_in_dim3A_11 : vector<16xi32> to vector<16x1xi32>
      %gather3A_430 = vector.shape_cast %broadcast_in_dim3A_429 : vector<16x1xi32> to vector<16xi32>
      %gather3A_431 = tpu.dynamic_gather %max3A_381[%gather3A_430] in [0] : vector<16xf32>, vector<16xi32> -> vector<16xf32>
      %select_n3A_432 = arith.select %eq3A_428, %gather3A_431, %select_n3A_425 : vector<16xi1>, vector<16xf32>
      %eq3A_433 = arith.constant 7 : i32
      %eq3A_434 = vector.broadcast %eq3A_433 : i32 to vector<16xi32>
      %eq3A_435 = arith.cmpi eq, %iota3A, %eq3A_434 : vector<16xi32>
      %broadcast_in_dim3A_436 = vector.shape_cast %add3A_20 : vector<16xi32> to vector<16x1xi32>
      %gather3A_437 = vector.shape_cast %broadcast_in_dim3A_436 : vector<16x1xi32> to vector<16xi32>
      %gather3A_438 = tpu.dynamic_gather %max3A_381[%gather3A_437] in [0] : vector<16xf32>, vector<16xi32> -> vector<16xf32>
      %select_n3A_439 = arith.select %eq3A_435, %gather3A_438, %select_n3A_432 : vector<16xi1>, vector<16xf32>
      %masked_sort3A_440 = arith.constant dense<true> : vector<16xi1>
      %masked_sort3A_441, %masked_sort3A_442, %masked_sort3A_443 = tpu.sort %select_n3A_439, %iota3A masked %masked_sort3A_440 {descending = true} : (vector<16xf32>, vector<16xi32>, vector<16xi1>) -> (vector<16xi1>, vector<16xf32>, vector<16xi32>)
      %broadcast_in_dim3A_444 = vector.shape_cast %broadcast_in_dim3A_11 : vector<16xi32> to vector<16x1xi32>
      %gather3A_445 = vector.shape_cast %broadcast_in_dim3A_444 : vector<16x1xi32> to vector<16xi32>
      %gather3A_446 = tpu.dynamic_gather %masked_sort3A_443[%gather3A_445] in [0] : vector<16xi32>, vector<16xi32> -> vector<16xi32>
      %broadcast_in_dim3A_447 = vector.shape_cast %add3A_14 : vector<16xi32> to vector<16x1xi32>
      %gather3A_448 = vector.shape_cast %broadcast_in_dim3A_447 : vector<16x1xi32> to vector<16xi32>
      %gather3A_449 = tpu.dynamic_gather %masked_sort3A_443[%gather3A_448] in [0] : vector<16xi32>, vector<16xi32> -> vector<16xi32>
      %broadcast_in_dim3A_450 = vector.shape_cast %add3A_17 : vector<16xi32> to vector<16x1xi32>
      %gather3A_451 = vector.shape_cast %broadcast_in_dim3A_450 : vector<16x1xi32> to vector<16xi32>
      %gather3A_452 = tpu.dynamic_gather %masked_sort3A_443[%gather3A_451] in [0] : vector<16xi32>, vector<16xi32> -> vector<16xi32>
      %eq3A_453 = arith.cmpi eq, %shift_right_arithmetic3A_43, %gather3A_446 : vector<16xi32>
      %eq3A_454 = arith.cmpi eq, %shift_right_arithmetic3A_43, %gather3A_449 : vector<16xi32>
      %or3A_455 = arith.ori %eq3A_453, %eq3A_454 : vector<16xi1>
      %eq3A_456 = arith.cmpi eq, %shift_right_arithmetic3A_43, %gather3A_452 : vector<16xi32>
      %or3A_457 = arith.ori %or3A_455, %eq3A_456 : vector<16xi1>
      %jit3A_458 = arith.constant -1.000000e+00 : f32
      %broadcast_in_dim3A_459 = vector.broadcast %jit3A_458 : f32 to vector<16xf32>
      %select_n3A_460 = arith.select %or3A_457, %get3A_315, %broadcast_in_dim3A_459 : vector<16xi1>, vector<16xf32>
      %masked_sort3A_461 = arith.constant dense<true> : vector<16xi1>
      %masked_sort3A_462, %masked_sort3A_463, %masked_sort3A_464 = tpu.sort %select_n3A_460, %add3A_29 masked %masked_sort3A_461 {descending = true} : (vector<16xf32>, vector<16xi32>, vector<16xi1>) -> (vector<16xi1>, vector<16xf32>, vector<16xi32>)
      %eq3A_465 = arith.cmpi eq, %shift_right_arithmetic3A_49, %gather3A_446 : vector<16xi32>
      %eq3A_466 = arith.cmpi eq, %shift_right_arithmetic3A_49, %gather3A_449 : vector<16xi32>
      %or3A_467 = arith.ori %eq3A_465, %eq3A_466 : vector<16xi1>
      %eq3A_468 = arith.cmpi eq, %shift_right_arithmetic3A_49, %gather3A_452 : vector<16xi32>
      %or3A_469 = arith.ori %or3A_467, %eq3A_468 : vector<16xi1>
      %jit3A_470 = arith.constant -1.000000e+00 : f32
      %broadcast_in_dim3A_471 = vector.broadcast %jit3A_470 : f32 to vector<16xf32>
      %select_n3A_472 = arith.select %or3A_469, %get3A_321, %broadcast_in_dim3A_471 : vector<16xi1>, vector<16xf32>
      %masked_sort3A_473 = arith.constant dense<true> : vector<16xi1>
      %masked_sort3A_474, %masked_sort3A_475, %masked_sort3A_476 = tpu.sort %select_n3A_472, %add3A_32 masked %masked_sort3A_473 {descending = true} : (vector<16xf32>, vector<16xi32>, vector<16xi1>) -> (vector<16xi1>, vector<16xf32>, vector<16xi32>)
      %eq3A_477 = arith.cmpi eq, %shift_right_arithmetic3A_55, %gather3A_446 : vector<16xi32>
      %eq3A_478 = arith.cmpi eq, %shift_right_arithmetic3A_55, %gather3A_449 : vector<16xi32>
      %or3A_479 = arith.ori %eq3A_477, %eq3A_478 : vector<16xi1>
      %eq3A_480 = arith.cmpi eq, %shift_right_arithmetic3A_55, %gather3A_452 : vector<16xi32>
      %or3A_481 = arith.ori %or3A_479, %eq3A_480 : vector<16xi1>
      %jit3A_482 = arith.constant -1.000000e+00 : f32
      %broadcast_in_dim3A_483 = vector.broadcast %jit3A_482 : f32 to vector<16xf32>
      %select_n3A_484 = arith.select %or3A_481, %get3A_327, %broadcast_in_dim3A_483 : vector<16xi1>, vector<16xf32>
      %masked_sort3A_485 = arith.constant dense<true> : vector<16xi1>
      %masked_sort3A_486, %masked_sort3A_487, %masked_sort3A_488 = tpu.sort %select_n3A_484, %add3A_35 masked %masked_sort3A_485 {descending = true} : (vector<16xf32>, vector<16xi32>, vector<16xi1>) -> (vector<16xi1>, vector<16xf32>, vector<16xi32>)
      %eq3A_489 = arith.cmpi eq, %shift_right_arithmetic3A_61, %gather3A_446 : vector<16xi32>
      %eq3A_490 = arith.cmpi eq, %shift_right_arithmetic3A_61, %gather3A_449 : vector<16xi32>
      %or3A_491 = arith.ori %eq3A_489, %eq3A_490 : vector<16xi1>
      %eq3A_492 = arith.cmpi eq, %shift_right_arithmetic3A_61, %gather3A_452 : vector<16xi32>
      %or3A_493 = arith.ori %or3A_491, %eq3A_492 : vector<16xi1>
      %jit3A_494 = arith.constant -1.000000e+00 : f32
      %broadcast_in_dim3A_495 = vector.broadcast %jit3A_494 : f32 to vector<16xf32>
      %select_n3A_496 = arith.select %or3A_493, %get3A_333, %broadcast_in_dim3A_495 : vector<16xi1>, vector<16xf32>
      %masked_sort3A_497 = arith.constant dense<true> : vector<16xi1>
      %masked_sort3A_498, %masked_sort3A_499, %masked_sort3A_500 = tpu.sort %select_n3A_496, %add3A_38 masked %masked_sort3A_497 {descending = true} : (vector<16xf32>, vector<16xi32>, vector<16xi1>) -> (vector<16xi1>, vector<16xf32>, vector<16xi32>)
      %rev3A_501 = arith.constant 15 : i32
      %rev3A_502 = vector.broadcast %rev3A_501 : i32 to vector<16xi32>
      %rev3A_503 = tpu.iota {dimensions = array<i32: 0>} : vector<16xi32>
      %rev3A_504 = arith.subi %rev3A_502, %rev3A_503 : vector<16xi32>
      %rev3A_505 = tpu.dynamic_gather %masked_sort3A_475[%rev3A_504] in [0] : vector<16xf32>, vector<16xi32> -> vector<16xf32>
      %select_n3A_506 = arith.select %lt3A_26, %masked_sort3A_463, %rev3A_505 : vector<16xi1>, vector<16xf32>
      %rev3A_507 = arith.constant 15 : i32
      %rev3A_508 = vector.broadcast %rev3A_507 : i32 to vector<16xi32>
      %rev3A_509 = tpu.iota {dimensions = array<i32: 0>} : vector<16xi32>
      %rev3A_510 = arith.subi %rev3A_508, %rev3A_509 : vector<16xi32>
      %rev3A_511 = tpu.dynamic_gather %masked_sort3A_476[%rev3A_510] in [0] : vector<16xi32>, vector<16xi32> -> vector<16xi32>
      %select_n3A_512 = arith.select %lt3A_26, %masked_sort3A_464, %rev3A_511 : vector<16xi1>, vector<16xi32>
      %masked_sort3A_513 = arith.constant dense<true> : vector<16xi1>
      %masked_sort3A_514, %masked_sort3A_515, %masked_sort3A_516 = tpu.sort %select_n3A_506, %select_n3A_512 masked %masked_sort3A_513 {descending = true} : (vector<16xf32>, vector<16xi32>, vector<16xi1>) -> (vector<16xi1>, vector<16xf32>, vector<16xi32>)
      %rev3A_517 = arith.constant 15 : i32
      %rev3A_518 = vector.broadcast %rev3A_517 : i32 to vector<16xi32>
      %rev3A_519 = tpu.iota {dimensions = array<i32: 0>} : vector<16xi32>
      %rev3A_520 = arith.subi %rev3A_518, %rev3A_519 : vector<16xi32>
      %rev3A_521 = tpu.dynamic_gather %masked_sort3A_499[%rev3A_520] in [0] : vector<16xf32>, vector<16xi32> -> vector<16xf32>
      %select_n3A_522 = arith.select %lt3A_26, %masked_sort3A_487, %rev3A_521 : vector<16xi1>, vector<16xf32>
      %rev3A_523 = arith.constant 15 : i32
      %rev3A_524 = vector.broadcast %rev3A_523 : i32 to vector<16xi32>
      %rev3A_525 = tpu.iota {dimensions = array<i32: 0>} : vector<16xi32>
      %rev3A_526 = arith.subi %rev3A_524, %rev3A_525 : vector<16xi32>
      %rev3A_527 = tpu.dynamic_gather %masked_sort3A_500[%rev3A_526] in [0] : vector<16xi32>, vector<16xi32> -> vector<16xi32>
      %select_n3A_528 = arith.select %lt3A_26, %masked_sort3A_488, %rev3A_527 : vector<16xi1>, vector<16xi32>
      %masked_sort3A_529 = arith.constant dense<true> : vector<16xi1>
      %masked_sort3A_530, %masked_sort3A_531, %masked_sort3A_532 = tpu.sort %select_n3A_522, %select_n3A_528 masked %masked_sort3A_529 {descending = true} : (vector<16xf32>, vector<16xi32>, vector<16xi1>) -> (vector<16xi1>, vector<16xf32>, vector<16xi32>)
      %rev3A_533 = arith.constant 15 : i32
      %rev3A_534 = vector.broadcast %rev3A_533 : i32 to vector<16xi32>
      %rev3A_535 = tpu.iota {dimensions = array<i32: 0>} : vector<16xi32>
      %rev3A_536 = arith.subi %rev3A_534, %rev3A_535 : vector<16xi32>
      %rev3A_537 = tpu.dynamic_gather %masked_sort3A_531[%rev3A_536] in [0] : vector<16xf32>, vector<16xi32> -> vector<16xf32>
      %select_n3A_538 = arith.select %lt3A_26, %masked_sort3A_515, %rev3A_537 : vector<16xi1>, vector<16xf32>
      %rev3A_539 = arith.constant 15 : i32
      %rev3A_540 = vector.broadcast %rev3A_539 : i32 to vector<16xi32>
      %rev3A_541 = tpu.iota {dimensions = array<i32: 0>} : vector<16xi32>
      %rev3A_542 = arith.subi %rev3A_540, %rev3A_541 : vector<16xi32>
      %rev3A_543 = tpu.dynamic_gather %masked_sort3A_532[%rev3A_542] in [0] : vector<16xi32>, vector<16xi32> -> vector<16xi32>
      %select_n3A_544 = arith.select %lt3A_26, %masked_sort3A_516, %rev3A_543 : vector<16xi1>, vector<16xi32>
      %masked_sort3A_545 = arith.constant dense<true> : vector<16xi1>
      %masked_sort3A_546, %masked_sort3A_547, %masked_sort3A_548 = tpu.sort %select_n3A_538, %select_n3A_544 masked %masked_sort3A_545 {descending = true} : (vector<16xf32>, vector<16xi32>, vector<16xi1>) -> (vector<16xi1>, vector<16xf32>, vector<16xi32>)
      %broadcast_in_dim3A_549 = vector.shape_cast %and3A_24 : vector<16xi32> to vector<16x1xi32>
      %gather3A_550 = vector.shape_cast %broadcast_in_dim3A_549 : vector<16x1xi32> to vector<16xi32>
      %gather3A_551 = tpu.dynamic_gather %masked_sort3A_548[%gather3A_550] in [0] : vector<16xi32>, vector<16xi32> -> vector<16xi32>
      %select_n3A_552 = arith.select %lt3A_26, %masked_sort3A_305, %gather3A_551 : vector<16xi1>, vector<16xi32>
      %mul3A_553 = arith.constant 16 : i32
      %mul3A_554 = arith.muli %scan3A_72, %mul3A_553 : i32
      %swap3A = arith.index_cast %mul3A_554 : i32 to index
      %swap3A_555 = tpu.vector_load %arg6[%swap3A] {strides = array<i32>} : memref<4096xi32, #tpu.memory_space<vmem>>, vector<16xi32>,
      tpu.vector_store %arg6[%swap3A], %select_n3A_552 {strides = array<i32>} : memref<4096xi32, #tpu.memory_space<vmem>>, vector<16xi32>,
      %broadcast_in_dim3A_556 = vector.shape_cast %and3A_24 : vector<16xi32> to vector<16x1xi32>
      %gather3A_557 = vector.shape_cast %broadcast_in_dim3A_556 : vector<16x1xi32> to vector<16xi32>
      %gather3A_558 = tpu.dynamic_gather %masked_sort3A_547[%gather3A_557] in [0] : vector<16xf32>, vector<16xi32> -> vector<16xf32>
      %select_n3A_559 = arith.select %lt3A_26, %masked_sort3A_304, %gather3A_558 : vector<16xi1>, vector<16xf32>
      %mul3A_560 = arith.constant 1.600000e+01 : f32
      %mul3A_561 = vector.broadcast %mul3A_560 : f32 to vector<16xf32>
      %mul3A_562 = arith.mulf %select_n3A_559, %mul3A_561 : vector<16xf32>
      %mul3A_563 = arith.constant 16 : i32
      %mul3A_564 = arith.muli %scan3A_72, %mul3A_563 : i32
      %swap3A_565 = arith.index_cast %mul3A_564 : i32 to index
      %swap3A_566 = tpu.vector_load %arg7[%swap3A_565] {strides = array<i32>} : memref<4096xf32, #tpu.memory_space<vmem>>, vector<16xf32>,
      tpu.vector_store %arg7[%swap3A_565], %mul3A_562 {strides = array<i32>} : memref<4096xf32, #tpu.memory_space<vmem>>, vector<16xf32>,
      %scan3A_567 = arith.constant 0 : i32
      scf.yield %scan3A_567 : i32
    }
    %scan3A_67 = arith.constant 256 : i32
    %mul3A_68 = arith.constant 4096 : i32
    %mul3A_69 = arith.muli %add3A, %mul3A_68 : i32
    "tpu.region"() ({
      %run_scoped3A = tpu.sem_alloc : memref<!tpu.dma_semaphore, #tpu.memory_space<semaphore_mem>>
      %dma_start3A = tpu.memref_slice %arg3[%mul3A_69] : memref<131072xi32, #tpu.memory_space<hbm>> -> memref<4096xi32, #tpu.memory_space<hbm>>
      %dma_start3A_72 = tpu.memref_slice %arg3[%mul3A_69] : memref<131072xi32, #tpu.memory_space<hbm>> -> memref<4096xi32, #tpu.memory_space<hbm>>
      tpu.enqueue_dma source(%arg6 : memref<4096xi32, #tpu.memory_space<vmem>>) target(%dma_start3A_72 : memref<4096xi32, #tpu.memory_space<hbm>>) target_semaphore(%run_scoped3A : memref<!tpu.dma_semaphore, #tpu.memory_space<semaphore_mem>>)
      %dma_wait3A = tpu.memref_slice %arg3[%mul3A_69] : memref<131072xi32, #tpu.memory_space<hbm>> -> memref<4096xi32, #tpu.memory_space<hbm>>
      %dma_wait3A_73 = tpu.memref_slice %arg3[%mul3A_69] : memref<131072xi32, #tpu.memory_space<hbm>> -> memref<4096xi32, #tpu.memory_space<hbm>>
      tpu.wait_dma2 semaphore(%run_scoped3A : memref<!tpu.dma_semaphore, #tpu.memory_space<semaphore_mem>>) src(%arg6 : memref<4096xi32, #tpu.memory_space<vmem>>) dst(%dma_wait3A_73 : memref<4096xi32, #tpu.memory_space<hbm>>)
      tpu.yield
    }) : () -> ()
    %mul3A_70 = arith.constant 4096 : i32
    %mul3A_71 = arith.muli %add3A, %mul3A_70 : i32
    "tpu.region"() ({
      %run_scoped3A = tpu.sem_alloc : memref<!tpu.dma_semaphore, #tpu.memory_space<semaphore_mem>>
      %dma_start3A = tpu.memref_slice %arg4[%mul3A_71] : memref<131072xf32, #tpu.memory_space<hbm>> -> memref<4096xf32, #tpu.memory_space<hbm>>
      %dma_start3A_72 = tpu.memref_slice %arg4[%mul3A_71] : memref<131072xf32, #tpu.memory_space<hbm>> -> memref<4096xf32, #tpu.memory_space<hbm>>
      tpu.enqueue_dma source(%arg7 : memref<4096xf32, #tpu.memory_space<vmem>>) target(%dma_start3A_72 : memref<4096xf32, #tpu.memory_space<hbm>>) target_semaphore(%run_scoped3A : memref<!tpu.dma_semaphore, #tpu.memory_space<semaphore_mem>>)
      %dma_wait3A = tpu.memref_slice %arg4[%mul3A_71] : memref<131072xf32, #tpu.memory_space<hbm>> -> memref<4096xf32, #tpu.memory_space<hbm>>
      %dma_wait3A_73 = tpu.memref_slice %arg4[%mul3A_71] : memref<131072xf32, #tpu.memory_space<hbm>> -> memref<4096xf32, #tpu.memory_space<hbm>>
      tpu.wait_dma2 semaphore(%run_scoped3A : memref<!tpu.dma_semaphore, #tpu.memory_space<semaphore_mem>>) src(%arg7 : memref<4096xf32, #tpu.memory_space<vmem>>) dst(%dma_wait3A_73 : memref<4096xf32, #tpu.memory_space<hbm>>)
      tpu.yield
    }) : () -> ()
    return
  }
}

module attributes {stable_mosaic.version = 14 : i64} {
  func.func @_scores_kernel(%arg0: i32, %arg1: memref<512x4096xf32, #tpu.memory_space<vmem>>, %arg2: memref<64x4096xf32, #tpu.memory_space<vmem>>, %arg3: memref<512x64xf32, #tpu.memory_space<vmem>>) attributes {dimension_semantics = [#tpu.dimension_semantics<arbitrary>], iteration_bounds = array<i64: 32>, scalar_prefetch = 0 : i64, scratch_operands = 0 : i64, tpu.core_type = #tpu.core_type<tc>, window_params = [{transform_indices = @transform_0, window_bounds = array<i64: 512, 4096>}, {pipeline_mode = #tpu.pipeline_mode<synchronous>, transform_indices = @transform_1, window_bounds = array<i64: 64, 4096>}, {transform_indices = @transform_2, window_bounds = array<i64: 512, 64>}]} {
    %get3A = arith.constant 0 : index
    %get3A_0 = arith.constant 0 : index
    %get3A_1 = vector.load %arg1[%get3A, %get3A_0] : memref<512x4096xf32, #tpu.memory_space<vmem>>, vector<512x4096xf32>
    %get3A_2 = arith.constant 0 : index
    %get3A_3 = arith.constant 0 : index
    %get3A_4 = vector.load %arg2[%get3A_2, %get3A_3] : memref<64x4096xf32, #tpu.memory_space<vmem>>, vector<64x4096xf32>
    %dot_general3A = arith.constant dense<0.000000e+00> : vector<512x64xf32>
    %dot_general3A_5 = tpu.matmul %get3A_1, %get3A_4, %dot_general3A {dimension_numbers = #tpu.dot_dimension_numbers<[1], [1], [0], [0], [0, 0, 1, 0], [], []>, transpose_lhs_hint = false} : vector<512x4096xf32>, vector<64x4096xf32>, vector<512x64xf32> -> vector<512x64xf32>
    %reduce_max3A = arith.constant dense<0xFF800000> : vector<512xf32>
    %reduce_max3A_6 = vector.multi_reduction <maximumf>, %dot_general3A_5, %reduce_max3A [1] : vector<512x64xf32> to vector<512xf32>
    %broadcast_in_dim3A = vector.shape_cast %reduce_max3A_6 : vector<512xf32> to vector<512x1xf32>
    %sub3A = vector.broadcast %broadcast_in_dim3A : vector<512x1xf32> to vector<512x64xf32>
    %sub3A_7 = arith.subf %dot_general3A_5, %sub3A : vector<512x64xf32>
    %exp3A = math.exp %sub3A_7 : vector<512x64xf32>
    %reduce_sum3A = arith.constant dense<0.000000e+00> : vector<512xf32>
    %reduce_sum3A_8 = vector.multi_reduction <add>, %exp3A, %reduce_sum3A [1] : vector<512x64xf32> to vector<512xf32>
    %broadcast_in_dim3A_9 = vector.shape_cast %reduce_sum3A_8 : vector<512xf32> to vector<512x1xf32>
    %div3A = vector.broadcast %broadcast_in_dim3A_9 : vector<512x1xf32> to vector<512x64xf32>
    %div3A_10 = arith.divf %exp3A, %div3A : vector<512x64xf32>
    %swap3A = arith.constant 0 : index
    %swap3A_11 = arith.constant 0 : index
    %swap3A_12 = vector.load %arg3[%swap3A, %swap3A_11] : memref<512x64xf32, #tpu.memory_space<vmem>>, vector<512x64xf32>
    tpu.vector_store %arg3[%swap3A, %swap3A_11], %div3A_10 {strides = array<i32>} : memref<512x64xf32, #tpu.memory_space<vmem>>, vector<512x64xf32>,
    return
  }
  func.func @transform_0(%arg0: i32) -> (i32, i32) {
    %c0_i32 = arith.constant 0 : i32
    %c0_i32_0 = arith.constant 0 : i32
    return %arg0, %c0_i32 : i32, i32
  }
  func.func @transform_1(%arg0: i32) -> (i32, i32) {
    %c0_i32 = arith.constant 0 : i32
    %c0_i32_0 = arith.constant 0 : i32
    %c0_i32_1 = arith.constant 0 : i32
    return %c0_i32, %c0_i32_0 : i32, i32
  }
  func.func @transform_2(%arg0: i32) -> (i32, i32) {
    %c0_i32 = arith.constant 0 : i32
    %c0_i32_0 = arith.constant 0 : i32
    return %arg0, %c0_i32 : i32, i32
  }
}

</mosaic_0001>

<sc_bundles>
// kernel: kernel.4.cloned.1.call-start
scs
__scs_entry_jumppad:
0x0: {  	(pc) =	sbr.rel $0x88, $3  }
0x1: {  	(tag) =	ssettag $0x0;
	lr =	simm.s32 $0x1  }
0x2: {  	[smem:$0x3F9F] =	sst lr;
	_ =	strace $0xD0000000  }
0x3: {  	_ = 	snop  }
0x4: {  	_ = 	snop  }
0x5: {  	_ = 	snop  }
0x6: {  	_ = 	snop  }
0x7: {  	_ = 	snop  }
__scs_overlays_trampoline_lowered:
0x8: {  	[smem:$0x3FAE] =	sst s0  }
0x9: {  	[smem:$0x3FAF] =	sst s1  }
0xa: {  	[smem:$0x3FB0] =	sst s2  }
0xb: {  	[smem:$0x3FB1] =	sst s3  }
0xc: {  	[smem:$0x3FB2] =	sst s4  }
0xd: {  	[smem:$0x3FB3] =	sst s5  }
0xe: {  	[smem:$0x3FB4] =	sst s6  }
0xf: {  	[smem:$0x3FB5] =	sst s7  }
0x10: {  	[smem:$0x3FB6] =	sst s8  }
0x11: {  	[smem:$0x3FB7] =	sst s9;
	s0 =	simm.s32 @!p0 $0x0  }
0x12: {  	s1 =	sld [smem:$0x3F9D];
	s0 =	simm.s32 @p0 $0x1  }
0x13: {  	[smem:$0x3FB8] =	sst s0;
	s0 =	simm.s32 @!p1 $0x0  }
0x14: {  	s2 =	sld [smem:$0x3F9C];
	s0 =	simm.s32 @p1 $0x1  }
0x15: {  	[smem:$0x3FB9] =	sst s0;
	s0 =	simm.s32 @!p2 $0x0  }
0x16: {  	s3 =	sld [smem:$0x3FDB];
	s0 =	simm.s32 @p2 $0x1  }
0x17: {  	s4 =	simm.s32 $0x1BF5;
	[smem:$0x3FBB] =	sst s0  }
0x18: {  	s0 =	sld [smem:$0x3F9E];
	_ =	swait.ge [sflag:s4], $0x0  }
0x19: {  	s7 =	sld [smem:$0x3F9F]  }
0x1a: {  	s8 =	sadd.s32 $0xFFFFE003, lr  }
0x1b: {  	s9 =	sadd.s32 $0xFFFFFEF7, lr;
	s5 =	simm.s32 $0xFFFFFFFF;
	p2 =	slt.u32 s8, $0xFFFFF086  }
0x1c: {  	p1 =	slt.u32 s9, $0xF7A;
	s5 =	simm.s32 @!p2 $0x0  }
0x1d: {  	s5 =	simm.s32 @p1 $0x1;
	p0 =	seq.s32 s7, s2  }
0x1e: {  	s7 =	smul.u32 @!p0 $0xF7A, s2;
	p2 =	seq.s32 @!p0 s5, $0x0  }
0x1f: {  	s9 =	smul.u32 $0xF7A, s1;
	s8 =	simm.s32 @!p0 $0x1BF5;
	p2 =	por !p2, p0  }
0x20: {  	[sflag:s8] =	ssyncset.s32 @!p0 $0xFFFFF086;
	s6 =	sadd.s32 @!p0 s3, s7;
	s7 =	simm.s32 @!p0 $0x108  }
0x21: {  	s3 =	sadd.s32 s3, s9;
	s6 =	sadd.s32 @!p0 $0x88, s6;
	s7 =	simm.s32 @p2 $0x1082  }
0x22: {  	[simem:s7], [sflag:s8] =	dma.local @!p0 [hbm:s6], $0xF7A  }
0x23: {  	s9 =	sor.u32 $0xD0000000, s2;
	s6 =	simm.s32 $0x108;
	_ =	swait.ge @!p0 [sflag:s8], $0x0  }
0x24: {  	s3 =	sadd.s32 $0x88, s3;
	s6 =	simm.s32 @!p1 $0x1082;
	[sflag:s4] =	ssyncset.s32 $0xFFFFF086  }
0x25: {  	[simem:s6], [sflag:s4] =	dma.local [hbm:s3], $0xF7A  }
0x26: {  	[smem:$0x3F9F] =	sst s1;
	(tag) =	ssettag s2;
	_ =	strace s9  }
0x27: {  	s1 =	sld [smem:$0x3FAF]  }
0x28: {  	s2 =	sld [smem:$0x3FB0]  }
0x29: {  	s4 =	sld [smem:$0x3FB2]  }
0x2a: {  	p0 =	seq.s32 s5, $0x0;
	s5 =	sld [smem:$0x3FB3]  }
0x2b: {  	s6 =	sld [smem:$0x3FB4]  }
0x2c: {  	s7 =	sld [smem:$0x3FB5]  }
0x2d: {  	s3 =	simm.s32 $0x108;
	s8 =	sld [smem:$0x3FB6]  }
0x2e: {  	s3 =	simm.s32 @!p0 $0x1082;
	s9 =	sld [smem:$0x3FB7]  }
0x2f: {  	lr =	sadd.s32 s0, s3;
	s0 =	sld [smem:$0x3FAE]  }
0x30: {  	s3 =	sld [smem:$0x3FB1]  }
0x31: {  	[smem:$0x3FBA] =	sst s10  }
0x32: {  	s10 =	sld [smem:$0x3FB8];
	_ =	sdelay $0x3  }
0x33: {  	p0 =	seq.s32 s10, $0x1;
	s10 =	sld [smem:$0x3FBA];
	_ =	sdelay $0x3  }
0x34: {  	[smem:$0x3FBA] =	sst s10  }
0x35: {  	s10 =	sld [smem:$0x3FB9];
	_ =	sdelay $0x3  }
0x36: {  	p1 =	seq.s32 s10, $0x1;
	s10 =	sld [smem:$0x3FBA];
	_ =	sdelay $0x3  }
0x37: {  	[smem:$0x3FBA] =	sst s10  }
0x38: {  	s10 =	sld [smem:$0x3FBB]  }
0x39: {  	_ = 	snop;
	(pc) =	sbr.ind lr, $3  }
0x3a: {  	_ = 	snop  }
0x3b: {  	_ = 	snop  }
0x3c: {  	p2 =	seq.s32 s10, $0x1;
	s10 =	sld [smem:$0x3FBA]  }
0x3d: {  	_ =	shalt  }
0x3e: {  	_ =	shalt  }
0x3f: {  	_ =	shalt  }
0x40: {  	_ =	shalt  }
0x41: {  	_ =	shalt  }
0x42: {  	_ =	shalt  }
0x43: {  	_ =	shalt  }
0x44: {  	_ =	shalt  }
0x45: {  	_ =	shalt  }
0x46: {  	_ =	shalt  }
0x47: {  	_ =	shalt  }
0x48: {  	_ =	shalt  }
0x49: {  	_ =	shalt  }
0x4a: {  	_ =	shalt  }
0x4b: {  	_ =	shalt  }
0x4c: {  	_ =	shalt  }
0x4d: {  	_ =	shalt  }
0x4e: {  	_ =	shalt  }
0x4f: {  	_ =	shalt  }
0x50: {  	_ =	shalt  }
0x51: {  	_ =	shalt  }
0x52: {  	_ =	shalt  }
0x53: {  	_ =	shalt  }
0x54: {  	_ =	shalt  }
0x55: {  	_ =	shalt  }
0x56: {  	_ =	shalt  }
0x57: {  	_ =	shalt  }
0x58: {  	_ =	shalt  }
0x59: {  	_ =	shalt  }
0x5a: {  	_ =	shalt  }
0x5b: {  	_ =	shalt  }
0x5c: {  	_ =	shalt  }
0x5d: {  	_ =	shalt  }
0x5e: {  	_ =	shalt  }
0x5f: {  	_ =	shalt  }
0x60: {  	_ =	shalt  }
0x61: {  	_ =	shalt  }
0x62: {  	_ =	shalt  }
0x63: {  	_ =	shalt  }
0x64: {  	_ =	shalt  }
0x65: {  	_ =	shalt  }
0x66: {  	_ =	shalt  }
0x67: {  	_ =	shalt  }
0x68: {  	_ =	shalt  }
0x69: {  	_ =	shalt  }
0x6a: {  	_ =	shalt  }
0x6b: {  	_ =	shalt  }
0x6c: {  	_ =	shalt  }
0x6d: {  	_ =	shalt  }
0x6e: {  	_ =	shalt  }
0x6f: {  	_ =	shalt  }
0x70: {  	_ =	shalt  }
0x71: {  	_ =	shalt  }
0x72: {  	_ =	shalt  }
0x73: {  	_ =	shalt  }
0x74: {  	_ =	shalt  }
0x75: {  	_ =	shalt  }
0x76: {  	_ =	shalt  }
0x77: {  	_ =	shalt  }
0x78: {  	_ =	shalt  }
0x79: {  	_ =	shalt  }
0x7a: {  	_ =	shalt  }
0x7b: {  	_ =	shalt  }
0x7c: {  	_ =	shalt  }
0x7d: {  	_ =	shalt  }
0x7e: {  	_ =	shalt  }
0x7f: {  	_ =	shalt  }
0x80: {  	_ =	shalt  }
0x81: {  	_ =	shalt  }
0x82: {  	_ =	shalt  }
0x83: {  	_ =	shalt  }
0x84: {  	_ =	shalt  }
0x85: {  	_ =	shalt  }
0x86: {  	_ =	shalt  }
0x87: {  	_ =	shalt  }
.Lfunc_end0:
.L_simem_size_0:
called_computation_lowered:
.L_overlay_start_0:
0x88: {  	s2 =	sld [smem:$0x3FD9]  }
0x89: {  	s3 =	sld [smem:$0x3FFE];
	_ =	sdelay $0x1  }
0x8a: {  	s1 =	srdreg.scid  }
0x8b: {  	s0 =	sand.u32 $0x1, s1  }
0x8c: {  	s14 =	sshll.u32 s0, $0xA;
	s2 =	sadd.s32 s3, s2  }
0x8d: {  	s2 =	sadd.s32 s2, s14  }
0x8e: {  	[smem:$0x3FC6] =	sst s2  }
0x8f: {  	_ = 	snop  }
0x90: {  	s2 =	sld [smem:$0x3FD0];
	_ =	sdelay $0x2  }
0x91: {  	s15 =	simm.s32 $0xA;
	s4 =	simm.s32 $0x10  }
0x92: {  	[smem:s4], [sflag:s15] =	dma.local [hbm:s2], $0x1  }
0x93: {  	_ =	swait.eq [sflag:s15], $0x1  }
0x94: {  	[sflag:s15] =	ssyncset.done $0x0  }
0x95: {  	[sflag:s15] =	ssyncadd.s32 $0xFFFFFFFF  }
0x96: {  	s16 =	sld [smem:$0x11];
	(tm) =	ssettm $0x1  }
0x97: {  	s17 =	sld [smem:$0x3FFB];
	_ =	sdelay $0x3  }
0x98: {  	_ =	strace s17  }
0x99: {  	s3 =	sld [smem:$0x3FFC];
	_ =	sdelay $0x3  }
0x9a: {  	_ =	strace s3  }
0x9b: {  	s3 =	sld [smem:$0x3FFD];
	_ =	sdelay $0x3  }
0x9c: {  	_ =	strace s3  }
0x9d: {  	_ =	strace $0x8FFFFFFF  }
0x9e: {  	s18 =	sld [smem:$0x3FDB];
	_ =	sdelay $0x1  }
0x9f: {  	s19 =	simm.s32 $_scs_section_size  }
0xa0: {  	s5 =	simm.s32 $_size__tile_overlayer_lowered;
	s6 =	simm.s32 $_tile_overlayer_lowered  }
0xa1: {  	s22 =	simm.s32 $0x1BFF;
	s21 =	sshll.u32 s6, $0x1;
	s3 =	sadd.s32 s19, s18  }
0xa2: {  	s7 =	simm.s32 $0x0;
	s20 =	sshll.u32 s5, $0x1;
	s5 =	sadd.s32 s21, s3  }
0xa3: {  	[timem:s7], [sflag:s22] =	dma.local [hbm:s5], s20  }
0xa4: {  	_ =	swait.ge [sflag:s22], s20  }
0xa5: {  	s4 =	ssub.s32 $0x0, s20;
	[sflag:s22] =	ssyncset.done $0x0  }
0xa6: {  	[sflag:s22] =	ssyncadd.s32 s4;
	_ =	sdelay $0x1  }
0xa7: {  	s23 =	simm.s32 $0x1B8B  }
0xa8: {  	_ =	swait.ge [sflag:s23], $0x1  }
0xa9: {  	[sflag:s23] =	ssyncset.done $0x0  }
0xaa: {  	s25 =	simm.s32 $0x1B8E;
	s24 =	sld [smem:$0x3FFE];
	[sflag:s23] =	ssyncadd.s32 $0xFFFFFFFF  }
0xab: {  	s26 =	simm.s32 $execute0_lowered;
	[smem:$0x3FD2] =	sst s25  }
0xac: {  	s5 =	sshll.u32 s26, $0x1;
	_ =	strace $0x80000046;
	[dreg:$0x1] =	wrdreg $0xFFFFFFFF  }
0xad: {  	s28 =	simm.s32 $_size_execute0_lowered;
	s3 =	sadd.s32 s3, s5;
	[dreg:$0x0] =	wrdreg $0x0  }
0xae: {  	s5 =	sshll.u32 s28, $0x1;
	[dreg:$0x2] =	wrdreg s3  }
0xaf: {  	[dreg:$0x3] =	wrdreg s5  }
0xb0: {  	[dreg:$0x4] =	wrdreg $0xC0  }
0xb1: {  	_ =	task [dreg:s7], $0x5FFFF  }
0xb2: {  	[dreg:$0x1] =	wrdreg $0xFFFFFFFF  }
0xb3: {  	[dreg:$0x0] =	wrdreg $0x60  }
0xb4: {  	[dreg:$0x2] =	wrdreg s24  }
0xb5: {  	[dreg:$0x3] =	wrdreg s16  }
0xb6: {  	[dreg:$0x4] =	wrdreg $0x9  }
0xb7: {  	_ =	task.clear_ibuf [dreg:s7], $0x5FFFF;
	_ =	strace $0x90000046  }
0xb8: {  	s29 =	simm.s32 $0x9;
	_ =	strace $0x80000048  }
0xb9: {  	_ =	swait.ge [sflag:s29], $0x1  }
0xba: {  	[sflag:s29] =	ssyncadd.s32 $0xFFFFFFFF  }
0xbb: {  	_ =	strace $0x90000048  }
0xbc: {  	_ =	sfence  }
0xbd: {  	s30 =	sld [smem:$0x0];
	_ =	sdelay $0x2  }
0xbe: {  	s31 =	sshll.u32 s1, $0xD;
	s1 =	sshrl.u32 s1, $0x2  }
0xbf: {  	s3 =	sand.u32 $0x4000, s31;
	s1 =	sadd.s32 s1, s30  }
0xc0: {  	s0 =	sor.u32 s3, s0;
	s1 =	sshll.u32 s1, $0x11  }
0xc1: {  	s0 =	sor.u32 s1, s0  }
0xc2: {  	s0 =	sadd.s32 $0x8F2B, s0  }
0xc3: {  	[sflag:s0] =	ssyncadd.remote.s32 $0x1  }
0xc4: {  	_ =	sfence.sel $0xFFFF  }
0xc5: {  	[dreg:$0x0] =	wrdreg $0xFFFFFFFF;
	(pc) =	sbr.abs _section_cstart, $3  }
0xc6: {  	[dreg:$0x1] =	wrdreg $0xFFFFFFFF  }
0xc7: {  	_ =	task.clear_ibuf [dreg:s7], $0x2FFFF;
	_ =	strace $0x9FFFFFFF  }
0xc8: {  	(tm) =	ssettm $0x7FFFFFFF  }
0xc9: {  	_ =	shalt  }
tec
execute0_lowered:
.L_overlay_start_1:
0x0: {  	(tag) =	ssettag $0x1  }
0x1: {  	v0 =	vimm.s32 $0xEFCDAB89;
	v1 =	vimm.s32 $0x67452301  }
0x2: {  	v2 =	vimm.s32 $0xDCFE98BA;
	v3 =	vimm.s32 $0x54761032;
	v4 =	vimm.s32 $0xBA98FEDC  }
0x3: {  	v5 =	vimm.s32 $0x32107654;
	vm6 =	vmmov $0x1;
	vm1 =	vcmask $0x320  }
0x4: {  	vm2 =	vcmask $0x720;
	vm3 =	vcmask $0xB20;
	vm4 =	vcmask $0xF20  }
0x5: {  	vm5 =	vcmask $0x1320;
	vm9 =	vcmask $0x1720;
	vm8 =	vcmask $0x1B20  }
0x6: {  	v6 =	vimm.s32 $0x1;
	v8 =	vimm.s32 $0xFEDCBA98;
	v10 =	vimm.s32 $0x76543210  }
0x7: {  	vm0 =	vmmov $0xff;
	v0 =	vunpack.c.l.s4.s8 v0;
	v1 =	vunpack.c.l.s4.s8 v1  }
0x8: {  	v2 =	vunpack.c.l.s4.s8 v2;
	v3 =	vunpack.c.l.s4.s8 v3;
	v4 =	vunpack.c.l.s4.s8 v4  }
0x9: {  	v5 =	vunpack.c.l.s4.s8 v5;
	v12 =	vunpack.c.l.s4.s8 v8;
	v8 =	vimm.s32 $0x2  }
0xa: {  	s3 =	rddreg [dreg:$0x0];
	v0 =	vunpack.c.0.s8.s32 v0;
	v1 =	vunpack.c.0.s8.s32 v1;
	v2 =	vunpack.c.0.s8.s32 v2  }
0xb: {  	s4 =	rddreg [dreg:$0x1];
	v3 =	vunpack.c.0.s8.s32 v3;
	v4 =	vunpack.c.0.s8.s32 v4;
	v5 =	vunpack.c.0.s8.s32 v5  }
0xc: {  	s0 =	rddreg [dreg:$0x2];
	v13 =	vunpack.c.l.s4.s8 v10;
	v15 =	vunpack.c.0.s8.s32 v12;
	v0 =	vcombine.low v1, v0  }
0xd: {  	s5 =	srdreg.scid;
	s1 =	stileid.u32;
	v1 =	vcombine.low v3, v2;
	v2 =	vcombine.low v5, v4;
	v5 =	vlaneseq.u32  }
0xe: {  	s2 =	simm.s32 $0x0;
	s5 =	sand.u32 $0x1, s5;
	s6 =	sshll.u32 s1, $0x1;
	v17 =	vunpack.c.0.s8.s32 v13;
	v3 =	vimm.s32 $0x0;
	v16 =	vmul.u32 $0xFFFFFFFF, v5  }
0xf: {  	s10 =	simm.s32 $0x0;
	[smem:$0x7FF] =	sst s2;
	s6 =	sor.u32 s5, s6;
	v4 =	vimm.s32 $0x8;
	v18 =	vand.u32 $0xF, v15;
	v7 =	vshrl.u32 v5, $0x3  }
0x10: {  	_ =	strace $0x80000047;
	s5 =	ssub.s32 $0x2, s5;
	s7 =	sshll.u32 s6, $0xC;
	v10 =	vor.u32 $0x10, v5;
	v15 =	vadd.s32 $0xF, v16;
	v16 =	vimm.s32 $0x0  }
0x11: {  	s6 =	sshll.u32 s6, $0x9;
	s31 =	sshrl.u32 s5, $0x1;
	s7 =	sadd.s32 s7, s3;
	v12 =	vor.u32 $0x20, v5;
	v14 =	vor.u32 $0x30, v5;
	v16 =	vsel vm0, $0xFFFFFFFF, v16  }
0x12: {  	s8 =	sadd.s32 s6, s3;
	s9 =	ssub.s32 s5, s31;
	s4 =	sadd.s32 s4, s6;
	v0 =	vand.u32 $0xF, v0;
	[tilespmem:$0x1FFE0] =	vst v16;
	v16 =	vcombine.low v18, v17;
	v17 =	vimm.s32 $0x0  }
0x13: {  	s3 =	sadd.s32 $0xC00, s7;
	s5 =	sadd.s32 $0x20C00, s8;
	s6 =	smax.u32 s9, $0x1;
	v1 =	vand.u32 $0xF, v1;
	v2 =	vand.u32 $0xF, v2;
	v17 =	vsel vm6, $0xFFFFFFFF, v17  }
0x14: {  	s7 =	simm.s32 $0x1;
	s8 =	simm.s32 $0x8000;
	s9 =	simm.s32 $0x9000;
	v9 =	vor.u32 $0x2, v7;
	v11 =	vor.u32 $0x4, v7;
	v13 =	vor.u32 $0x6, v7;
	[tilespmem:$0x1FFF0] =	vst v17  }
.LBB2_1:
0x15: {  	[tilespmem:s2], [sflag:$0x1] =	stream.linear.gather [hbm4b:s3+s2], $0x8000, $0x38;
	[tilespmem:$0xA000] =	vst v63  }
0x16: {  	_ =	swait.ge [sflag:s7], $0x8000  }
0x17: {  	[sflag:s7] =	ssyncset.done $0x0  }
0x18: {  	s11 =	simm.s32 $0x40;
	[sflag:s7] =	ssyncadd.s32 $0xFFFF8000  }
0x19: {  	v19 =	vld [tilespmem:s11+$0x0]  }
0x1a: {  	v21 =	vld [tilespmem:s11+$0x10]  }
0x1b: {  	v18 =	vld [tilespmem:s11+$0x20]  }
0x1c: {  	v17 =	vld [tilespmem:s11+$0xFFFFFFC0]  }
0x1d: {  	v20 =	vld [tilespmem:s11+$0xFFFFFFD0]  }
0x1e: {  	v22 =	vld [tilespmem:s11+$0xFFFFFFE0]  }
0x1f: {  	v24 =	vld [tilespmem:s11+$0x30]  }
0x20: {  	v29 =	vld [tilespmem:s11+$0xFFFFFFF0];
	_ =	sdelay $0x1  }
0x21: {  	v23 =	vperm.xlane v21, v0;
	v25 =	vperm.xlane v19, v0  }
0x22: {  	v26 =	vperm.xlane v18, v0;
	v27 =	vperm.xlane v17, v0  }
0x23: {  	v28 =	vperm.xlane v20, v0;
	v30 =	vperm.xlane v22, v0  }
0x24: {  	v35 =	vperm.xlane v24, v0;
	v36 =	vperm.xlane v29, v0  }
0x25: {  	v23 =	vmax.f32 v21, v23;
	v26 =	vmax.f32 v18, v26;
	v27 =	vmax.f32 v17, v27  }
0x26: {  	v25 =	vmax.f32 v19, v25;
	v28 =	vmax.f32 v20, v28;
	v31 =	vperm.xlane v23, v1  }
0x27: {  	v30 =	vmax.f32 v22, v30;
	v32 =	vperm.xlane v26, v1;
	v33 =	vperm.xlane v27, v1  }
0x28: {  	v58 =	vmax.f32 v29, v36;
	v34 =	vperm.xlane v28, v1;
	v52 =	vperm.xlane v25, v1  }
0x29: {  	v35 =	vmax.f32 v24, v35;
	v54 =	vperm.xlane v30, v1;
	v38 =	vperm.xlane v58, v1  }
0x2a: {  	v60 =	vperm.xlane v35, v1;
	v23 =	vmax.f32 v23, v31;
	v27 =	vmax.f32 v27, v33  }
0x2b: {  	v28 =	vmax.f32 v28, v34;
	v25 =	vmax.f32 v25, v52;
	v26 =	vmax.f32 v26, v32  }
0x2c: {  	v30 =	vmax.f32 v30, v54;
	v53 =	vperm.xlane v23, v2;
	v37 =	vperm.xlane v27, v2  }
0x2d: {  	v34 =	vmax.f32 v58, v38;
	v31 =	vperm.xlane v25, v2;
	v32 =	vperm.xlane v26, v2  }
0x2e: {  	v35 =	vmax.f32 v35, v60;
	v55 =	vperm.xlane v28, v2;
	v56 =	vperm.xlane v30, v2  }
0x2f: {  	v62 =	vperm.xlane v34, v2;
	v63 =	vperm.xlane v35, v2;
	v27 =	vmax.f32 v27, v37  }
0x30: {  	v23 =	vmax.f32 v23, v53;
	v26 =	vmax.f32 v26, v32;
	v28 =	vmax.f32 v28, v55  }
0x31: {  	v30 =	vmax.f32 v30, v56;
	v37 =	vperm.xlane v27, v3;
	v27 =	vperm.xlane v27, v4  }
0x32: {  	v25 =	vmax.f32 v25, v31;
	v32 =	vperm.xlane v26, v3;
	v57 =	vperm.xlane v23, v3  }
0x33: {  	v40 =	vmax.f32 v34, v62;
	v26 =	vperm.xlane v26, v4;
	v59 =	vperm.xlane v30, v3  }
0x34: {  	v42 =	vmax.f32 v35, v63;
	v30 =	vperm.xlane v30, v4;
	v31 =	vperm.xlane v25, v3  }
0x35: {  	v39 =	vperm.xlane v28, v3;
	v25 =	vperm.xlane v25, v4;
	v37 =	vnsel vm6, $0xBF800000, v37  }
0x36: {  	v28 =	vperm.xlane v28, v4;
	v61 =	vnsel vm6, $0xBF800000, v31;
	v27 =	vsel vm1, v37, v27  }
0x37: {  	v23 =	vperm.xlane v23, v4;
	v25 =	vsel vm1, v61, v25;
	v27 =	vsel vm2, v27, v39  }
0x38: {  	v41 =	vperm.xlane v40, v3;
	v25 =	vsel vm2, v25, v57;
	v27 =	vsel vm3, v27, v28  }
0x39: {  	v43 =	vperm.xlane v40, v4;
	v23 =	vsel vm3, v25, v23;
	v27 =	vsel vm4, v27, v59  }
0x3a: {  	v44 =	vperm.xlane v42, v3;
	v23 =	vsel vm4, v23, v32;
	v27 =	vsel vm5, v27, v30  }
0x3b: {  	v45 =	vperm.xlane v42, v4;
	v23 =	vsel vm5, v23, v26;
	v27 =	vsel vm9, v27, v41  }
0x3c: {  	v23 =	vsel vm9, v23, v44;
	v25 =	vsel vm8, v27, v43  }
0x3d: {  	v23 =	vsel vm8, v23, v45;
	(xrf1) =	vsort.dscd.msk.f32 $0xffff, v25, v5  }
0x3e: {  	(xrf1) =	vsort.dscd.msk.f32 $0xffff, v23, v5;
	_ =	sdelay $0xc  }
0x3f: {  	_, v46, _ =	vpop (xrf1)  }
0x40: {  	v47 =	vperm.xlane v46, v3;
	v48 =	vperm.xlane v46, v6;
	_, v49, _ =	vpop (xrf1)  }
0x41: {  	v50 =	vperm.xlane v49, v3;
	v51 =	vperm.xlane v49, v6  }
0x42: {  	v23 =	vperm.xlane v46, v8;
	v27 =	vperm.xlane v49, v8;
	vm0 =	veq.s32 v47, v13  }
0x43: {  	vm10 =	veq.s32 v48, v13;
	vm11 =	veq.s32 v50, v13;
	vm12 =	veq.s32 v51, v13  }
0x44: {  	vm13 =	veq.s32 v23, v13;
	vm11 =	vmor vm11, vm12;
	vm12 =	veq.s32 v27, v13  }
0x45: {  	vm0 =	vmor vm0, vm10;
	vm10 =	veq.s32 v48, v11;
	vm11 =	vmor vm11, vm12  }
0x46: {  	vm0 =	vmor vm0, vm13;
	vm12 =	veq.s32 v47, v11;
	v24 =	vnsel vm11, $0xBF800000, v24  }
0x47: {  	v52 =	vnsel vm0, $0xBF800000, v29;
	vm11 =	veq.s32 v23, v11;
	vm10 =	vmor vm12, vm10;
	(xrf1) =	vsort.dscd.msk.f32 $0xffff, v24, v14  }
0x48: {  	vm0 =	vmor vm10, vm11;
	(xrf1) =	vsort.dscd.msk.f32 $0xffff, v52, v14  }
0x49: {  	v22 =	vnsel vm0, $0xBF800000, v22  }
0x4a: {  	(xrf1) =	vsort.dscd.msk.f32 $0xffff, v22, v12  }
0x4b: {  	vm13 =	veq.s32 v50, v9;
	vm10 =	veq.s32 v47, v9;
	vm11 =	veq.s32 v48, v9  }
0x4c: {  	vm12 =	veq.s32 v50, v7;
	vm0 =	veq.s32 v51, v7;
	vm10 =	vmor vm10, vm11  }
0x4d: {  	vm11 =	veq.s32 v23, v9;
	vm0 =	vmor vm12, vm0;
	vm12 =	veq.s32 v51, v9  }
0x4e: {  	vm10 =	vmor vm10, vm11;
	vm12 =	vmor vm13, vm12;
	vm13 =	veq.s32 v27, v9  }
0x4f: {  	vm11 =	veq.s32 v50, v11;
	v20 =	vnsel vm10, $0xBF800000, v20;
	vm12 =	vmor vm12, vm13  }
0x50: {  	vm10 =	veq.s32 v47, v7;
	vm13 =	veq.s32 v51, v11;
	v21 =	vnsel vm12, $0xBF800000, v21  }
0x51: {  	vm12 =	veq.s32 v48, v7;
	vm11 =	vmor vm11, vm13;
	vm13 =	veq.s32 v27, v7  }
0x52: {  	vm0 =	vmor vm0, vm13;
	vm10 =	vmor vm10, vm12;
	vm12 =	veq.s32 v27, v11;
	(xrf1) =	vsort.dscd.msk.f32 $0xffff, v21, v10  }
0x53: {  	v56 =	vld [tilespmem:$0x1FFE0];
	v19 =	vnsel vm0, $0xBF800000, v19;
	vm0 =	vmor vm11, vm12;
	vm11 =	veq.s32 v23, v7;
	(xrf1) =	vsort.dscd.msk.f32 $0xffff, v20, v10  }
0x54: {  	vm10 =	vmor vm10, vm11;
	v18 =	vnsel vm0, $0xBF800000, v18;
	(xrf1) =	vsort.dscd.msk.f32 $0xffff, v19, v5  }
0x55: {  	v17 =	vnsel vm10, $0xBF800000, v17;
	(xrf1) =	vsort.dscd.msk.f32 $0xffff, v18, v12;
	v20, v53, _ =	vpop (xrf1)  }
0x56: {  	(xrf1) =	vsort.dscd.msk.f32 $0xffff, v17, v5;
	v19, v54, _ =	vpop (xrf1)  }
0x57: {  	v18 =	vperm.xlane v19, v15;
	v19 =	vperm.xlane v54, v15  }
0x58: {  	vm0 =	vnez.u8 v56;
	v17, v55, _ =	vpop (xrf1)  }
0x59: {  	v17 =	vsel vm0, v17, v18;
	v18 =	vsel vm0, v55, v19  }
0x5a: {  	(xrf1) =	vsort.dscd.msk.f32 $0xffff, v17, v18;
	_ =	sdelay $0x5  }
0x5b: {  	v18, v19, _ =	vpop (xrf1)  }
0x5c: {  	v17 =	vperm.xlane v20, v15;
	v20, v57, _ =	vpop (xrf1)  }
0x5d: {  	v18 =	vperm.xlane v18, v15;
	v19 =	vperm.xlane v19, v15;
	v59, v58, _ =	vpop (xrf1)  }
0x5e: {  	v21 =	vperm.xlane v53, v15;
	v20 =	vperm.xlane v20, v15;
	v60, v61, _ =	vpop (xrf1)  }
0x5f: {  	v18 =	vsel vm0, v59, v18;
	v19 =	vsel vm0, v58, v19;
	v17 =	vsel vm0, v60, v17;
	v62, v63, _ =	vpop (xrf1)  }
0x60: {  	v22 =	vperm.xlane v57, v15;
	(xrf1) =	vsort.dscd.msk.f32 $0xffff, v18, v19;
	v18 =	vsel vm0, v62, v20  }
0x61: {  	v21 =	vsel vm0, v61, v21  }
0x62: {  	(xrf1) =	vsort.dscd.msk.f32 $0xffff, v17, v21;
	v19 =	vsel vm0, v63, v22  }
0x63: {  	s13 =	simm.s32 $0x40;
	s12 =	simm.s32 $0x0;
	(xrf1) =	vsort.dscd.msk.f32 $0xffff, v18, v19;
	v18, v17, _ =	vpop (xrf1)  }
.LBB2_2:
0x64: {  	_ =	sdelay $0x8  }
0x65: {  	v25 =	vld [tilespmem:$0x1FFE0];
	_ =	sdelay $0x1  }
0x66: {  	v19, v20, _ =	vpop (xrf1)  }
0x67: {  	v21, v22, _ =	vpop (xrf1)  }
0x68: {  	v21 =	vperm.xlane v21, v15;
	v22 =	vperm.xlane v22, v15  }
0x69: {  	v18 =	vperm.xlane v18, v15;
	vm0 =	vnez.u8 v25  }
0x6a: {  	v17 =	vperm.xlane v17, v15;
	v19 =	vsel vm0, v19, v21;
	v20 =	vsel vm0, v20, v22  }
0x6b: {  	v23, v24, _ =	vpop (xrf1);
	(xrf1) =	vsort.dscd.msk.f32 $0xffff, v19, v20  }
0x6c: {  	v18 =	vsel vm0, v23, v18;
	v17 =	vsel vm0, v24, v17  }
0x6d: {  	(xrf1) =	vsort.dscd.msk.f32 $0xffff, v18, v17;
	_ =	sdelay $0xb  }
0x6e: {  	v17, v18, _ =	vpop (xrf1)  }
0x6f: {  	v17 =	vperm.xlane v17, v16  }
0x70: {  	v18 =	vperm.xlane v18, v16;
	v19, v20, _ =	vpop (xrf1)  }
0x71: {  	v17 =	vsel vm0, v19, v17  }
0x72: {  	s15 =	sshra.s32 s12, $0x2;
	v18 =	vsel vm0, v20, v18;
	v17 =	vmul.f32 $1.600000000e+01, v17  }
0x73: {  	[tilespmem:s15+$0x8000] =	vst v18  }
0x74: {  	s11 =	sadd.s32 $0x80, s11;
	[tilespmem:s15+$0x9000] =	vst v17  }
0x75: {  	v19 =	vld [tilespmem:s11+$0x0]  }
0x76: {  	v20 =	vld [tilespmem:s11+$0x10]  }
0x77: {  	v18 =	vld [tilespmem:s11+$0x20]  }
0x78: {  	v17 =	vld [tilespmem:s11+$0xFFFFFFC0]  }
0x79: {  	v21 =	vld [tilespmem:s11+$0xFFFFFFD0]  }
0x7a: {  	v22 =	vld [tilespmem:s11+$0xFFFFFFE0]  }
0x7b: {  	v24 =	vld [tilespmem:s11+$0x30]  }
0x7c: {  	v53 =	vld [tilespmem:s11+$0xFFFFFFF0]  }
0x7d: {  	v51 =	vperm.xlane v20, v0  }
0x7e: {  	v52 =	vperm.xlane v19, v0;
	v26 =	vperm.xlane v18, v0  }
0x7f: {  	v27 =	vperm.xlane v17, v0;
	v28 =	vperm.xlane v21, v0  }
0x80: {  	v30 =	vperm.xlane v22, v0;
	v35 =	vperm.xlane v24, v0  }
0x81: {  	v36 =	vperm.xlane v53, v0;
	v29 =	vmax.f32 v20, v51;
	v26 =	vmax.f32 v18, v26  }
0x82: {  	v27 =	vmax.f32 v17, v27;
	v25 =	vmax.f32 v19, v52;
	v28 =	vmax.f32 v21, v28  }
0x83: {  	v30 =	vmax.f32 v22, v30;
	v31 =	vperm.xlane v29, v1;
	v32 =	vperm.xlane v26, v1  }
0x84: {  	v61 =	vmax.f32 v53, v36;
	v33 =	vperm.xlane v27, v1;
	v34 =	vperm.xlane v28, v1  }
0x85: {  	v35 =	vmax.f32 v24, v35;
	v54 =	vperm.xlane v25, v1;
	v37 =	vperm.xlane v30, v1  }
0x86: {  	v38 =	vperm.xlane v61, v1;
	v40 =	vperm.xlane v35, v1  }
0x87: {  	v29 =	vmax.f32 v29, v31;
	v27 =	vmax.f32 v27, v33;
	v28 =	vmax.f32 v28, v34  }
0x88: {  	v25 =	vmax.f32 v25, v54;
	v26 =	vmax.f32 v26, v32;
	v55 =	vperm.xlane v29, v2  }
0x89: {  	v30 =	vmax.f32 v30, v37;
	v56 =	vperm.xlane v27, v2;
	v31 =	vperm.xlane v25, v2  }
0x8a: {  	v34 =	vmax.f32 v61, v38;
	v32 =	vperm.xlane v26, v2;
	v57 =	vperm.xlane v28, v2  }
0x8b: {  	v35 =	vmax.f32 v35, v40;
	v58 =	vperm.xlane v30, v2;
	v42 =	vperm.xlane v34, v2  }
0x8c: {  	v43 =	vperm.xlane v35, v2;
	v27 =	vmax.f32 v27, v56;
	v29 =	vmax.f32 v29, v55  }
0x8d: {  	v26 =	vmax.f32 v26, v32;
	v28 =	vmax.f32 v28, v57;
	v59 =	vperm.xlane v27, v3  }
0x8e: {  	v30 =	vmax.f32 v30, v58;
	v27 =	vperm.xlane v27, v4;
	v32 =	vperm.xlane v26, v3  }
0x8f: {  	v25 =	vmax.f32 v25, v31;
	v60 =	vperm.xlane v29, v3;
	v26 =	vperm.xlane v26, v4  }
0x90: {  	v44 =	vmax.f32 v34, v42;
	v63 =	vperm.xlane v30, v3;
	v30 =	vperm.xlane v30, v4  }
0x91: {  	v39 =	vperm.xlane v28, v3;
	v31 =	vperm.xlane v25, v3;
	v62 =	vnsel vm6, $0xBF800000, v59  }
0x92: {  	v28 =	vperm.xlane v28, v4;
	v25 =	vperm.xlane v25, v4;
	v27 =	vsel vm1, v62, v27  }
0x93: {  	v29 =	vperm.xlane v29, v4;
	v41 =	vnsel vm6, $0xBF800000, v31;
	v27 =	vsel vm2, v27, v39  }
0x94: {  	v31 =	vperm.xlane v44, v3;
	v25 =	vsel vm1, v41, v25;
	v27 =	vsel vm3, v27, v28  }
0x95: {  	v25 =	vsel vm2, v25, v60;
	v28 =	vperm.xlane v44, v4;
	v27 =	vsel vm4, v27, v63  }
0x96: {  	v25 =	vsel vm3, v25, v29;
	v27 =	vsel vm5, v27, v30;
	v30 =	vmax.f32 v35, v43  }
0x97: {  	v25 =	vsel vm4, v25, v32;
	v45 =	vperm.xlane v30, v3;
	v27 =	vsel vm9, v27, v31  }
0x98: {  	v25 =	vsel vm5, v25, v26;
	v30 =	vperm.xlane v30, v4;
	v27 =	vsel vm8, v27, v28  }
0x99: {  	v25 =	vsel vm9, v25, v45;
	(xrf1) =	vsort.dscd.msk.f32 $0xffff, v27, v5  }
0x9a: {  	v25 =	vsel vm8, v25, v30  }
0x9b: {  	(xrf1) =	vsort.dscd.msk.f32 $0xffff, v25, v5;
	_ =	sdelay $0xb  }
0x9c: {  	vm7 =	vmmov vm4;
	_, v46, _ =	vpop (xrf1)  }
0x9d: {  	v52 =	vimm.s32 $0x0;
	vm4 =	vmmov vm1;
	v47 =	vperm.xlane v46, v3  }
0x9e: {  	vm8 =	vmmov vm5;
	v48 =	vperm.xlane v46, v6;
	v25 =	vperm.xlane v46, v8;
	_, v49, _ =	vpop (xrf1)  }
0x9f: {  	vm5 =	vmmov vm2;
	vm12 =	veq.s32 v47, v13;
	v50 =	vperm.xlane v49, v3  }
0xa0: {  	v51 =	vperm.xlane v49, v6;
	vm13 =	veq.s32 v48, v13;
	vm14 =	veq.s32 v25, v13  }
0xa1: {  	v28 =	vperm.xlane v49, v8;
	vm6 =	veq.s32 v25, v7;
	vm2 =	veq.s32 v47, v11  }
0xa2: {  	v31 =	vsel vm6, $0xFFFFFFFF, v52;
	vm12 =	vmor vm12, vm13;
	vm6 =	vmmov vm3  }
0xa3: {  	vm10 =	veq.s32 v50, v13;
	vm15 =	veq.s32 v51, v13;
	vm11 =	veq.s32 v51, v7  }
0xa4: {  	vm1 =	veq.s32 v28, v13;
	vm12 =	vmor vm12, vm14;
	vm13 =	veq.s32 v50, v7  }
0xa5: {  	vm14 =	veq.s32 v47, v9;
	vm3 =	veq.s32 v51, v9;
	vm15 =	vmor vm10, vm15  }
0xa6: {  	v23 =	vnsel vm12, $0xBF800000, v53;
	vm11 =	vmor vm13, vm11;
	vm1 =	vmor vm15, vm1  }
0xa7: {  	vm13 =	veq.s32 v28, v9;
	v24 =	vnsel vm1, $0xBF800000, v24;
	vm1 =	veq.s32 v48, v11  }
0xa8: {  	vm15 =	veq.s32 v25, v11;
	vm1 =	vmor vm2, vm1;
	vm2 =	veq.s32 v48, v9  }
0xa9: {  	(xrf1) =	vsort.dscd.msk.f32 $0xffff, v24, v14;
	vm1 =	vmor vm1, vm15;
	vm2 =	vmor vm14, vm2;
	vm14 =	veq.s32 v50, v9  }
0xaa: {  	(xrf1) =	vsort.dscd.msk.f32 $0xffff, v23, v14;
	v22 =	vnsel vm1, $0xBF800000, v22;
	vm1 =	veq.s32 v25, v9;
	vm3 =	vmor vm14, vm3  }
0xab: {  	vm1 =	vmor vm2, vm1;
	vm2 =	vmor vm3, vm13  }
0xac: {  	[tilespmem:$0x1FFD0] =	vst v31;
	(xrf1) =	vsort.dscd.msk.f32 $0xffff, v22, v12;
	v20 =	vnsel vm2, $0xBF800000, v20  }
0xad: {  	(xrf1) =	vsort.dscd.msk.f32 $0xffff, v20, v10;
	v20 =	vld [tilespmem:$0x1FFD0]  }
0xae: {  	vm10 =	veq.s32 v50, v11  }
0xaf: {  	vm12 =	veq.s32 v28, v11;
	vm15 =	veq.s32 v48, v7;
	vm3 =	veq.s32 v51, v11  }
0xb0: {  	vm13 =	veq.s32 v28, v7;
	vm2 =	vmor vm10, vm3;
	vm3 =	veq.s32 v47, v7  }
0xb1: {  	v21 =	vnsel vm1, $0xBF800000, v21;
	vm1 =	vmor vm11, vm13;
	vm3 =	vmor vm3, vm15  }
0xb2: {  	v19 =	vnsel vm1, $0xBF800000, v19;
	vm1 =	vmor vm2, vm12;
	(xrf1) =	vsort.dscd.msk.f32 $0xffff, v21, v10;
	vm2 =	vnez.u8 v20  }
0xb3: {  	v18 =	vnsel vm1, $0xBF800000, v18;
	(xrf1) =	vsort.dscd.msk.f32 $0xffff, v19, v5;
	v19 =	vld [tilespmem:$0x1FFF0];
	vm2 =	vmor vm3, vm2  }
0xb4: {  	v17 =	vnsel vm2, $0xBF800000, v17;
	_ =	sdelay $0x1  }
0xb5: {  	(xrf1) =	vsort.dscd.msk.f32 $0xffff, v18, v12  }
0xb6: {  	(xrf1) =	vsort.dscd.msk.f32 $0xffff, v17, v5;
	v17, v18, _ =	vpop (xrf1)  }
0xb7: {  	vm3 =	vmmov vm6;
	vm6 =	vnez.u8 v19;
	v19, v20, _ =	vpop (xrf1)  }
0xb8: {  	v19 =	vperm.xlane v19, v15;
	v53 =	vperm.xlane v20, v15  }
0xb9: {  	v54, v22, _ =	vpop (xrf1)  }
0xba: {  	v55 =	vsel vm0, v54, v19;
	v56 =	vsel vm0, v22, v53  }
0xbb: {  	(xrf1) =	vsort.dscd.msk.f32 $0xffff, v55, v56;
	_ =	sdelay $0x5  }
0xbc: {  	v19, v20, _ =	vpop (xrf1)  }
0xbd: {  	v57, v22, _ =	vpop (xrf1)  }
0xbe: {  	v17 =	vperm.xlane v17, v15;
	v18 =	vperm.xlane v18, v15;
	v59, v58, _ =	vpop (xrf1)  }
0xbf: {  	p0 =	sne.s32 s13, $0x3FC0;
	v19 =	vperm.xlane v19, v15;
	v20 =	vperm.xlane v20, v15;
	v60, v61, _ =	vpop (xrf1)  }
.Ltmp0:
0xc0: {  	v21 =	vperm.xlane v57, v15;
	v22 =	vperm.xlane v22, v15;
	v17 =	vsel vm0, v60, v17;
	(pc) =	sbr.rel @p0 .LBB2_2-.Ltmp0, $4  }
0xc1: {  	v19 =	vsel vm0, v59, v19;
	v20 =	vsel vm0, v58, v20;
	v18 =	vsel vm0, v61, v18  }
0xc2: {  	vm1 =	vmmov vm4;
	v62, v63, _ =	vpop (xrf1);
	(xrf1) =	vsort.dscd.msk.f32 $0xffff, v19, v20  }
0xc3: {  	s14 =	smov.u32 s13;
	vm4 =	vmmov vm7;
	v19 =	vsel vm0, v62, v21;
	v20 =	vsel vm0, v63, v22;
	(xrf1) =	vsort.dscd.msk.f32 $0xffff, v17, v18  }
0xc4: {  	s13 =	sadd.s32 $0x40, s13;
	s12 =	smov.u32 s14;
	vm2 =	vmmov vm5;
	vm5 =	vmmov vm8;
	vm8 =	vcmask $0x1B20;
	(xrf1) =	vsort.dscd.msk.f32 $0xffff, v19, v20;
	v18, v17, _ =	vpop (xrf1)  }
0xc5: {  	_ =	sdelay $0x8  }
0xc6: {  	v23 =	vld [tilespmem:$0x1FFE0];
	_ =	sdelay $0x1  }
0xc7: {  	v19, v20, _ =	vpop (xrf1)  }
0xc8: {  	v21, v22, _ =	vpop (xrf1)  }
0xc9: {  	v21 =	vperm.xlane v21, v15;
	v22 =	vperm.xlane v22, v15  }
0xca: {  	v18 =	vperm.xlane v18, v15;
	vm0 =	vnez.u8 v23  }
0xcb: {  	v17 =	vperm.xlane v17, v15;
	v19 =	vsel vm0, v19, v21;
	v20 =	vsel vm0, v20, v22  }
0xcc: {  	v62, v63, _ =	vpop (xrf1);
	(xrf1) =	vsort.dscd.msk.f32 $0xffff, v19, v20  }
0xcd: {  	v18 =	vsel vm0, v62, v18;
	v17 =	vsel vm0, v63, v17  }
0xce: {  	(xrf1) =	vsort.dscd.msk.f32 $0xffff, v18, v17;
	_ =	sdelay $0xb  }
0xcf: {  	v17, v18, _ =	vpop (xrf1)  }
0xd0: {  	v17 =	vperm.xlane v17, v16  }
0xd1: {  	v18 =	vperm.xlane v18, v16;
	v19, v20, _ =	vpop (xrf1)  }
0xd2: {  	v17 =	vsel vm0, v19, v17  }
0xd3: {  	s11 =	sshra.s32 s12, $0x2;
	v18 =	vsel vm0, v20, v18;
	v17 =	vmul.f32 $1.600000000e+01, v17  }
0xd4: {  	[tilespmem:s11+$0x8000] =	vst v18  }
0xd5: {  	[tilespmem:s11+$0x9000] =	vst v17  }
0xd6: {  	[hbm4b:s4+s2] =	stream.linear.scatter [tilespmem:s8], [sflag:$0x1], $0x1000, $0x38;
	[tilespmem:$0xA000] =	vst v63  }
0xd7: {  	s10 =	sadd.s32 $0x1, s10;
	_ =	swait.ge [sflag:s7], $0x1000  }
0xd8: {  	p0 =	sne.s32 s10, s6;
	[sflag:s7] =	ssyncset.done $0x0  }
.Ltmp1:
0xd9: {  	[sflag:s7] =	ssyncadd.s32 $0xFFFFF000;
	(pc) =	sbr.rel @p0 .LBB2_1-.Ltmp1, $4  }
0xda: {  	[hbm4b:s5+s2] =	stream.linear.scatter [tilespmem:s9], [sflag:$0x1], $0x1000, $0x38;
	[tilespmem:$0xA000] =	vst v63  }
0xdb: {  	_ =	swait.ge [sflag:s7], $0x1000  }
0xdc: {  	[sflag:s7] =	ssyncset.done $0x0  }
0xdd: {  	[sflag:s7] =	ssyncadd.s32 $0xFFFFF000  }
0xde: {  	_ =	sfence.sel $0x180000  }
0xdf: {  	[bflag:$0x0] =	sbarrier.arrive $0xFFFF  }
0xe0: {  	p0 =	sne.s32 s1, $0x0;
	_ =	strace $0x90000047  }
0xe1: {  	s0 =	sadd.s32 @!p0 $0x100000, s0;
	[bflag:$0x2] =	sbarrier.arrive $0xFFFF  }
0xe2: {  	[sflag:s0] =	ssyncadd.tile.s32 @!p0 $0x1;
	_ =	shalt  }
.Lfunc_end2:
_tile_overlayer_lowered:
.L_overlay_start_2:
0xe3: {  	(tag) =	ssettag $0x2  }
0xe4: {  	s0 =	rddreg [dreg:$0x0];
	s2 =	stileid.u32  }
0xe5: {  	s1 =	rddreg [dreg:$0x1];
	p0 =	sne.s32 s2, $0x0  }
0xe6: {  	s3 =	rddreg [dreg:$0x2];
	[bflag:$0x3] =	sbarrier.arrive $0xFFFF;
	s2 =	simm.s32 @!p0 $0x1C01  }
0xe7: {  	[timem:s3], [sflag:s2] =	dma.local @!p0 [hbm:s0], s1  }
0xe8: {  	s0 =	simm.s32 @!p0 $0x1  }
0xe9: {  	_ =	swait.ge @!p0 [sflag:s0], s1  }
0xea: {  	s1 =	ssub.s32 @!p0 $0x0, s1;
	[sflag:s0] =	ssyncset.done @!p0 $0x0  }
0xeb: {  	[sflag:s0] =	ssyncadd.s32 @!p0 s1  }
0xec: {  	[bflag:$0x3] =	sbarrier.arrive $0xFFFF  }
0xed: {  	_ =	shalt  }

</sc_bundles>
